<compile_context>
chip_gen: v7x
topology: tpu7x:2x2x1
jax: 0.10.2.dev20260603
libtpu: 0.0.44.dev20260713+nightly
codegen_flags: <defaults>
</compile_context>

<pallas_src>
import functools

import jax
import jax.numpy as jnp
from jax import lax
from jax.experimental import pallas as pl
from jax.experimental.pallas import tpu as pltpu
from jax.experimental.pallas import tpu_sc as plsc

N = 10000
NPAD = 10240
D = 128
E = 320000
NC, NS, L = 2, 16, 16
NW = NC * NS
K = 128
NB = 80
EPW = NB * K
EPAD = EPW * NW
CB = 16
CE = CB * K
PCE = 2048
R = 2048
ACC_ROWS = 10112
TILE_ROWS = ACC_ROWS // NS
CR = 1000


def _prep_body(x_ref, w_ref, as_ref, ad_ref, hp_ref, s_ref, d_ref):
    h = jnp.dot(x_ref[...], w_ref[...], preferred_element_type=jnp.float32)
    hp_ref[...] = h
    s_ref[...] = jnp.sum(h * as_ref[...], axis=1, keepdims=True)
    d_ref[...] = jnp.sum(h * ad_ref[...], axis=1, keepdims=True)


def _prep(x_pad, W, att_src, att_dst):
    return pl.pallas_call(
        _prep_body,
        grid=(NPAD // R,),
        in_specs=[
            pl.BlockSpec((R, D), lambda i: (i, 0)),
            pl.BlockSpec((D, D), lambda i: (0, 0)),
            pl.BlockSpec((1, D), lambda i: (0, 0)),
            pl.BlockSpec((1, D), lambda i: (0, 0)),
        ],
        out_specs=[
            pl.BlockSpec((R, D), lambda i: (i, 0)),
            pl.BlockSpec((R, 1), lambda i: (i, 0)),
            pl.BlockSpec((R, 1), lambda i: (i, 0)),
        ],
        out_shape=[
            jax.ShapeDtypeStruct((NPAD, D), jnp.float32),
            jax.ShapeDtypeStruct((NPAD, 1), jnp.float32),
            jax.ShapeDtypeStruct((NPAD, 1), jnp.float32),
        ],
    )(x_pad, W, att_src.reshape(1, D), att_dst.reshape(1, D))


def _edge_body(src_hbm, dst2_hbm, as_hbm, ad_hbm, hp_hbm,
               out_hbm, w_hbm, den_hbm, acc, sem_g0, sem_g1, sem_s0, sem_s1):
    c = lax.axis_index("c")
    s = lax.axis_index("s")
    wid = c * NS + s
    base = wid * EPW
    brow = wid * NB

    def _phase1(a_s, a_d, den, sidx_c, didx_c, w_c):
        pltpu.sync_copy(as_hbm, a_s)
        pltpu.sync_copy(ad_hbm, a_d)

        def zd(g, cy):
            den[pl.ds(g * L, L)] = jnp.zeros((L,), jnp.float32)
            return cy
        lax.fori_loop(0, ACC_ROWS // L, zd, 0)

        def chunk(t, carry):
            off = base + t * PCE
            prow = brow + t * (PCE // K)
            pltpu.sync_copy(src_hbm.at[pl.ds(off, PCE)], sidx_c)
            pltpu.sync_copy(dst2_hbm.at[pl.ds(prow, PCE // K)], didx_c)

            @plsc.parallel_loop(0, PCE // L, unroll=2)
            def grp(g):
                row = g // (K // L)
                q = lax.rem(g, K // L)
                sv = sidx_c[pl.ds(g * L, L)]
                dv = didx_c[row, pl.ds(q * L, L)]
                e = plsc.load_gather(a_s, [sv]) + plsc.load_gather(a_d, [dv])
                e = jnp.where(e >= 0.0, e, e * 0.2)
                wv = jnp.exp(e)
                gid = off + g * L + lax.iota(jnp.int32, L)
                wv = jnp.where(gid < E, wv, 0.0)
                w_c[pl.ds(g * L, L)] = wv
                plsc.addupdate_scatter(den, [dv], wv)
            pltpu.sync_copy(w_c, w_hbm.at[pl.ds(off, PCE)])
            return carry
        lax.fori_loop(0, EPW // PCE, chunk, 0)
        pltpu.sync_copy(den, den_hbm.at[pl.ds(wid * ACC_ROWS, ACC_ROWS)])

    with jax.named_scope("p1_weights"):
        pl.run_scoped(_phase1,
                      pltpu.VMEM((NPAD,), jnp.float32),
                      pltpu.VMEM((NPAD,), jnp.float32),
                      pltpu.VMEM((ACC_ROWS,), jnp.float32),
                      pltpu.VMEM((PCE,), jnp.int32),
                      pltpu.VMEM((PCE // K, K), jnp.int32),
                      pltpu.VMEM((PCE,), jnp.float32))

    def _phase2(rows0, rows1, schunk, dchunk, wbuf, dst0, dst1, wstage):
        t0 = s * TILE_ROWS
        rem = TILE_ROWS % K

        def zr(k, cy):
            for j in range(D // L):
                rows0[k, pl.ds(j * L, L)] = jnp.zeros((L,), jnp.float32)
            return cy
        lax.fori_loop(0, K, zr, 0)
        for r in range(TILE_ROWS // K):
            pltpu.sync_copy(rows0, acc.at[pl.ds(t0 + r * K, K)])
        pltpu.sync_copy(rows0.at[pl.ds(0, rem)],
                        acc.at[pl.ds(t0 + (TILE_ROWS // K) * K, rem)])
        plsc.subcore_barrier()

        def load_chunk(t):
            pltpu.sync_copy(src_hbm.at[pl.ds(base + t * CE, CE)], schunk)
            pltpu.sync_copy(dst2_hbm.at[pl.ds(brow + t * CB, CB)], dchunk)
            pltpu.sync_copy(w_hbm.at[pl.ds(base + t * CE, CE)],
                            wbuf.at[pl.ds(0, CE)])

        def stage(i, dstg):
            j = lax.rem(i, CB)
            for q in range(K // L):
                dstg[0, pl.ds(q * L, L)] = dchunk[j, pl.ds(q * L, L)]
                wstage[pl.ds(q * L, L)] = wbuf[pl.ds(j * K + q * L, L)]

        def scale(rows):
            @plsc.parallel_loop(0, K, unroll=4)
            def sc(k):
                wk = wstage[pl.ds(k, L)][0]
                for j in range(D // L):
                    rows[k, pl.ds(j * L, L)] = rows[k, pl.ds(j * L, L)] * wk

        def _pipeline():
            load_chunk(0)
            pltpu.async_copy(hp_hbm.at[schunk.at[pl.ds(0, K)]], rows0,
                             sem_g0)

            def piter(m, cy):
                i0 = m * 2
                i1 = i0 + 1
                stage(i0, dst0)

                @pl.when(m >= 1)
                def _():
                    pltpu.make_async_copy(rows1, acc.at[dst1.at[0]],
                                          sem_s1).wait()
                j1 = lax.rem(i1, CB)
                pltpu.async_copy(hp_hbm.at[schunk.at[pl.ds(j1 * K, K)]],
                                 rows1, sem_g1)
                pltpu.make_async_copy(hp_hbm.at[schunk.at[pl.ds(0, K)]],
                                      rows0, sem_g0).wait()
                scale(rows0)
                pltpu.async_copy(rows0, acc.at[dst0.at[0]], sem_s0, add=True)
                stage(i1, dst1)

                @pl.when(m < NB // 2 - 1)
                def _():
                    @pl.when(lax.rem(i1 + 1, CB) == 0)
                    def _():
                        load_chunk((i1 + 1) // CB)
                    pltpu.make_async_copy(rows0, acc.at[dst0.at[0]],
                                          sem_s0).wait()
                    j2 = lax.rem(i1 + 1, CB)
                    pltpu.async_copy(hp_hbm.at[schunk.at[pl.ds(j2 * K, K)]],
                                     rows0, sem_g0)
                pltpu.make_async_copy(hp_hbm.at[schunk.at[pl.ds(0, K)]],
                                      rows1, sem_g1).wait()
                scale(rows1)
                pltpu.async_copy(rows1, acc.at[dst1.at[0]], sem_s1, add=True)
                return cy
            lax.fori_loop(0, NB // 2, piter, 0)

            pltpu.make_async_copy(rows0, acc.at[dst0.at[0]], sem_s0).wait()
            pltpu.make_async_copy(rows1, acc.at[dst1.at[0]], sem_s1).wait()

        with jax.named_scope("p2_pipeline"):
            _pipeline()
        plsc.subcore_barrier()
        for r in range(TILE_ROWS // K):
            row0 = t0 + r * K
            pltpu.sync_copy(acc.at[pl.ds(row0, K)],
                            out_hbm.at[c, pl.ds(row0, K)])
        row0 = t0 + (TILE_ROWS // K) * K
        pltpu.sync_copy(acc.at[pl.ds(row0, rem)],
                        out_hbm.at[c, pl.ds(row0, rem)])

    pl.run_scoped(_phase2,
                  pltpu.VMEM((K, D), jnp.float32),
                  pltpu.VMEM((K, D), jnp.float32),
                  pltpu.VMEM((CE,), jnp.int32),
                  pltpu.VMEM((CB, K), jnp.int32),
                  pltpu.VMEM((CE + L,), jnp.float32),
                  pltpu.VMEM((1, K), jnp.int32),
                  pltpu.VMEM((1, K), jnp.int32),
                  pltpu.VMEM((K + L,), jnp.float32))


def _edges(src_pad, dst2d, a_s, a_d, hp):
    mesh = plsc.VectorSubcoreMesh(
        core_axis_name="c", subcore_axis_name="s",
        num_cores=NC, num_subcores=NS)
    k = functools.partial(
        pl.kernel,
        out_type=(jax.ShapeDtypeStruct((NC, ACC_ROWS, D), jnp.float32),
                  jax.ShapeDtypeStruct((EPAD,), jnp.float32),
                  jax.ShapeDtypeStruct((NW * ACC_ROWS,), jnp.float32)),
        mesh=mesh,
        compiler_params=pltpu.CompilerParams(
            needs_layout_passes=False, use_tc_tiling_on_sc=True),
        scratch_types=[
            pltpu.VMEM_SHARED((ACC_ROWS, D), jnp.float32),
            pltpu.SemaphoreType.DMA,
            pltpu.SemaphoreType.DMA,
            pltpu.SemaphoreType.DMA,
            pltpu.SemaphoreType.DMA,
        ],
    )(_edge_body)
    return k(src_pad, dst2d, a_s, a_d, hp)


def _combine_body(p_ref, den_ref, hp_ref, as_ref, ad_ref, b_ref, out_ref):
    h = hp_ref[...]
    e = (jnp.sum(h * as_ref[...], axis=1, keepdims=True)
         + jnp.sum(h * ad_ref[...], axis=1, keepdims=True))
    wself = jnp.exp(jnp.where(e >= 0.0, e, e * 0.2))
    num = p_ref[0] + p_ref[1] + wself * h
    den_col = jnp.sum(den_ref[...], axis=1, keepdims=True)
    out_ref[...] = num / (den_col + wself + 1e-16) + b_ref[...]


def _combine(p, den, hp, att_src, att_dst, bias):
    return pl.pallas_call(
        _combine_body,
        grid=(N // CR,),
        in_specs=[
            pl.BlockSpec((NC, CR, D), lambda i: (0, i, 0)),
            pl.BlockSpec((CR, NW), lambda i: (i, 0)),
            pl.BlockSpec((CR, D), lambda i: (i, 0)),
            pl.BlockSpec((1, D), lambda i: (0, 0)),
            pl.BlockSpec((1, D), lambda i: (0, 0)),
            pl.BlockSpec((1, D), lambda i: (0, 0)),
        ],
        out_specs=pl.BlockSpec((CR, D), lambda i: (i, 0)),
        out_shape=jax.ShapeDtypeStruct((N, D), jnp.float32),
    )(p, den, hp, att_src.reshape(1, D), att_dst.reshape(1, D),
      bias.reshape(1, D))


def kernel(x, edge_index, W, att_src, att_dst, bias):
    src = edge_index[0].astype(jnp.int32)
    dst = edge_index[1].astype(jnp.int32)
    spread = (jnp.arange(EPAD - E, dtype=jnp.int32) * 37) % N
    src_pad = jnp.concatenate([src, spread])
    dst_pad = jnp.concatenate([dst, spread])
    dst2d = dst_pad.reshape(EPAD // K, K)
    x_pad = jnp.pad(x, ((0, NPAD - N), (0, 0)))
    hp, a_s, a_d = _prep(x_pad, W, att_src, att_dst)
    p, _, den = _edges(src_pad, dst2d,
                       a_s.reshape(NPAD), a_d.reshape(NPAD), hp)
    den_t = den.reshape(NW, ACC_ROWS).T
    return _combine(p, den_t, hp, att_src, att_dst, bias)

# --- scband reference (transcript-rebuilt; emitter-appended) ---
"""Pipeline reference for scband-dummy-gat-47725676593415 (READ-ONLY COPY).

The authoritative reference and input builder live on the scoring server;
editing this copy changes nothing except your own understanding.
"""

import jax, jax.numpy as jnp
import numpy as np

N_NODES = 10000
N_EDGES = 320000
D_IN = 128
D_OUT = 128


def setup_inputs(seed: int = 0) -> dict:
    key = jax.random.key(seed)
    k1, k2, k3, k4, k5, k6 = jax.random.split(key, 6)
    x = jax.random.normal(k1, (N_NODES, D_IN), dtype=jnp.float32)
    edge_index = jax.random.randint(k2, (2, N_EDGES), 0, N_NODES, dtype=jnp.int64)
    # GATConv parameters (single head): linear weight, attention vectors, bias
    glorot = float(np.sqrt(6.0 / (D_IN + D_OUT)))
    W = jax.random.uniform(k3, (D_IN, D_OUT), dtype=jnp.float32, minval=-glorot, maxval=glorot)
    a_scale = float(np.sqrt(6.0 / (1 + D_OUT)))
    att_src = jax.random.uniform(k4, (D_OUT,), dtype=jnp.float32, minval=-a_scale, maxval=a_scale)
    att_dst = jax.random.uniform(k5, (D_OUT,), dtype=jnp.float32, minval=-a_scale, maxval=a_scale)
    bias = jnp.zeros((D_OUT,), dtype=jnp.float32)
    return {"x": x, "edge_index": edge_index, "W": W, "att_src": att_src, "att_dst": att_dst, "bias": bias}


def reference(x, edge_index, W, att_src, att_dst, bias):
    # Faithful single-head PyG GATConv (negative_slope=0.2, add_self_loops=True)
    N = x.shape[0]
    loops = jnp.arange(N, dtype=edge_index.dtype)
    src = jnp.concatenate([edge_index[0], loops])
    dst = jnp.concatenate([edge_index[1], loops])
    h = x @ W  # [N, D_OUT]
    alpha_src = (h * att_src).sum(-1)  # [N]
    alpha_dst = (h * att_dst).sum(-1)  # [N]
    e = alpha_src[src] + alpha_dst[dst]  # [E+N]
    e = jax.nn.leaky_relu(e, negative_slope=0.2)
    # numerically-stable softmax over incoming edges per destination node
    e_max = jax.ops.segment_max(e, dst, num_segments=N)
    e_exp = jnp.exp(e - e_max[dst])
    denom = jax.ops.segment_sum(e_exp, dst, num_segments=N)
    alpha = e_exp / (denom[dst] + 1e-16)
    out = jax.ops.segment_sum(alpha[:, None] * h[src], dst, num_segments=N)
    return out + bias

if __name__ == "__main__":
    import jax
    _d = setup_inputs()
    print(jax.jit(kernel)(*tuple(_d.values())))

</pallas_src>

<mosaic_0001>
#map = affine_map<(d0, d1) -> (0)>
#map1 = affine_map<(d0, d1) -> (0, 0)>
#map2 = affine_map<(d0, d1) -> (0, 0, 0)>
module attributes {stable_mosaic.version = 14 : i64} {
  func.func @_edge_body(%arg0: i32, %arg1: i32, %arg2: memref<327680xi32, #tpu.memory_space<hbm>>, %arg3: memref<2560x128xi32, #tpu.memory_space<hbm>>, %arg4: memref<10240xf32, #tpu.memory_space<hbm>>, %arg5: memref<10240xf32, #tpu.memory_space<hbm>>, %arg6: memref<10240x128xf32, #tpu.memory_space<hbm>>, %arg7: memref<2x10112x128xf32, #tpu.memory_space<hbm>>, %arg8: memref<327680xf32, #tpu.memory_space<hbm>>, %arg9: memref<323584xf32, #tpu.memory_space<hbm>>, %arg10: memref<10112x128xf32, #tpu.memory_space<vmem_shared>>, %arg11: memref<!tpu.dma_semaphore, #tpu.memory_space<semaphore_mem>>, %arg12: memref<!tpu.dma_semaphore, #tpu.memory_space<semaphore_mem>>, %arg13: memref<!tpu.dma_semaphore, #tpu.memory_space<semaphore_mem>>, %arg14: memref<!tpu.dma_semaphore, #tpu.memory_space<semaphore_mem>>) attributes {dimension_semantics = [#tpu.dimension_semantics<core_parallel>, #tpu.dimension_semantics<subcore_parallel>], iteration_bounds = array<i64: 2, 16>, scalar_prefetch = 0 : i64, scratch_operands = 5 : i64, tpu.core_type = #tpu.core_type<sc_vector_subcore>, window_params = [{transform_indices = #map}, {transform_indices = #map1}, {transform_indices = #map}, {transform_indices = #map}, {transform_indices = #map1}, {transform_indices = #map2}, {transform_indices = #map}, {transform_indices = #map}]} {
    %mul3A = arith.constant 16 : i32
    %mul3A_0 = arith.muli %arg0, %mul3A : i32
    %add3A = arith.addi %mul3A_0, %arg1 : i32
    %mul3A_1 = arith.constant 10240 : i32
    %mul3A_2 = arith.muli %add3A, %mul3A_1 : i32
    %mul3A_3 = arith.constant 80 : i32
    %mul3A_4 = arith.muli %add3A, %mul3A_3 : i32
    "tpu.trace_start"() <{level = 10 : i32, message = "p1_weights"}> : () -> ()
    "tpu.region"() ({
      %run_scoped3A = memref.alloca() : memref<10240xf32, #tpu.memory_space<vmem>>
      %run_scoped3A_5 = memref.alloca() : memref<10240xf32, #tpu.memory_space<vmem>>
      %run_scoped3A_6 = memref.alloca() : memref<10112xf32, #tpu.memory_space<vmem>>
      %run_scoped3A_7 = memref.alloca() : memref<2048xi32, #tpu.memory_space<vmem>>
      %run_scoped3A_8 = memref.alloca() : memref<16x128xi32, #tpu.memory_space<vmem>>
      %run_scoped3A_9 = memref.alloca() : memref<2048xf32, #tpu.memory_space<vmem>>
      "tpu.region"() ({
        %run_scoped3A_23 = tpu.sem_alloc : memref<!tpu.dma_semaphore, #tpu.memory_space<semaphore_mem>>
        tpu.enqueue_dma source(%arg4 : memref<10240xf32, #tpu.memory_space<hbm>>) target(%run_scoped3A : memref<10240xf32, #tpu.memory_space<vmem>>) target_semaphore(%run_scoped3A_23 : memref<!tpu.dma_semaphore, #tpu.memory_space<semaphore_mem>>)
        tpu.wait_dma2 semaphore(%run_scoped3A_23 : memref<!tpu.dma_semaphore, #tpu.memory_space<semaphore_mem>>) src(%arg4 : memref<10240xf32, #tpu.memory_space<hbm>>) dst(%run_scoped3A : memref<10240xf32, #tpu.memory_space<vmem>>)
        tpu.yield
      }) : () -> ()
      "tpu.region"() ({
        %run_scoped3A_23 = tpu.sem_alloc : memref<!tpu.dma_semaphore, #tpu.memory_space<semaphore_mem>>
        tpu.enqueue_dma source(%arg5 : memref<10240xf32, #tpu.memory_space<hbm>>) target(%run_scoped3A_5 : memref<10240xf32, #tpu.memory_space<vmem>>) target_semaphore(%run_scoped3A_23 : memref<!tpu.dma_semaphore, #tpu.memory_space<semaphore_mem>>)
        tpu.wait_dma2 semaphore(%run_scoped3A_23 : memref<!tpu.dma_semaphore, #tpu.memory_space<semaphore_mem>>) src(%arg5 : memref<10240xf32, #tpu.memory_space<hbm>>) dst(%run_scoped3A_5 : memref<10240xf32, #tpu.memory_space<vmem>>)
        tpu.yield
      }) : () -> ()
      %scan3A = arith.constant 0 : i32
      %scan3A_10 = arith.constant 0 : i32
      %scan3A_11 = arith.constant 632 : i32
      %scan3A_12 = arith.addi %scan3A_10, %scan3A_11 : i32
      %scan3A_13 = arith.constant 1 : i32
      scf.for %scan3A_23 = %scan3A_10 to %scan3A_12 step %scan3A_13  : i32 {
        %broadcast_in_dim3A = arith.constant 0.000000e+00 : f32
        %broadcast_in_dim3A_24 = vector.broadcast %broadcast_in_dim3A : f32 to vector<16xf32>
        %mul3A_25 = arith.constant 16 : i32
        %mul3A_26 = arith.muli %scan3A_23, %mul3A_25 : i32
        %swap3A = arith.index_cast %mul3A_26 : i32 to index
        %swap3A_27 = tpu.vector_load %run_scoped3A_6[%swap3A] {strides = array<i32>} : memref<10112xf32, #tpu.memory_space<vmem>>, vector<16xf32>,
        tpu.vector_store %run_scoped3A_6[%swap3A], %broadcast_in_dim3A_24 {strides = array<i32>} : memref<10112xf32, #tpu.memory_space<vmem>>, vector<16xf32>,
      }
      %scan3A_14 = arith.constant 632 : i32
      %scan3A_15 = arith.constant 0 : i32
      %scan3A_16 = arith.constant 0 : i32
      %scan3A_17 = arith.constant 5 : i32
      %scan3A_18 = arith.addi %scan3A_16, %scan3A_17 : i32
      %scan3A_19 = arith.constant 1 : i32
      scf.for %scan3A_23 = %scan3A_16 to %scan3A_18 step %scan3A_19  : i32 {
        %mul3A_24 = arith.constant 2048 : i32
        %mul3A_25 = arith.muli %scan3A_23, %mul3A_24 : i32
        %add3A_26 = arith.addi %mul3A_2, %mul3A_25 : i32
        %mul3A_27 = arith.constant 16 : i32
        %mul3A_28 = arith.muli %scan3A_23, %mul3A_27 : i32
        %add3A_29 = arith.addi %mul3A_4, %mul3A_28 : i32
        "tpu.region"() ({
          %run_scoped3A_32 = tpu.sem_alloc : memref<!tpu.dma_semaphore, #tpu.memory_space<semaphore_mem>>
          %dma_start3A = tpu.memref_slice %arg2[%add3A_26] : memref<327680xi32, #tpu.memory_space<hbm>> -> memref<2048xi32, #tpu.memory_space<hbm>>
          %dma_start3A_33 = tpu.memref_slice %arg2[%add3A_26] : memref<327680xi32, #tpu.memory_space<hbm>> -> memref<2048xi32, #tpu.memory_space<hbm>>
          tpu.enqueue_dma source(%dma_start3A_33 : memref<2048xi32, #tpu.memory_space<hbm>>) target(%run_scoped3A_7 : memref<2048xi32, #tpu.memory_space<vmem>>) target_semaphore(%run_scoped3A_32 : memref<!tpu.dma_semaphore, #tpu.memory_space<semaphore_mem>>)
          %dma_wait3A = tpu.memref_slice %arg2[%add3A_26] : memref<327680xi32, #tpu.memory_space<hbm>> -> memref<2048xi32, #tpu.memory_space<hbm>>
          %dma_wait3A_34 = tpu.memref_slice %arg2[%add3A_26] : memref<327680xi32, #tpu.memory_space<hbm>> -> memref<2048xi32, #tpu.memory_space<hbm>>
          tpu.wait_dma2 semaphore(%run_scoped3A_32 : memref<!tpu.dma_semaphore, #tpu.memory_space<semaphore_mem>>) src(%dma_wait3A_34 : memref<2048xi32, #tpu.memory_space<hbm>>) dst(%run_scoped3A_7 : memref<2048xi32, #tpu.memory_space<vmem>>)
          tpu.yield
        }) : () -> ()
        "tpu.region"() ({
          %run_scoped3A_32 = tpu.sem_alloc : memref<!tpu.dma_semaphore, #tpu.memory_space<semaphore_mem>>
          %dma_start3A = arith.constant 0 : i32
          %dma_start3A_33 = tpu.memref_slice %arg3[%add3A_29, %dma_start3A] : memref<2560x128xi32, #tpu.memory_space<hbm>> -> memref<16x128xi32, #tpu.memory_space<hbm>>
          %dma_start3A_34 = arith.constant 0 : i32
          %dma_start3A_35 = tpu.memref_slice %arg3[%add3A_29, %dma_start3A_34] : memref<2560x128xi32, #tpu.memory_space<hbm>> -> memref<16x128xi32, #tpu.memory_space<hbm>>
          tpu.enqueue_dma source(%dma_start3A_35 : memref<16x128xi32, #tpu.memory_space<hbm>>) target(%run_scoped3A_8 : memref<16x128xi32, #tpu.memory_space<vmem>>) target_semaphore(%run_scoped3A_32 : memref<!tpu.dma_semaphore, #tpu.memory_space<semaphore_mem>>)
          %dma_wait3A = arith.constant 0 : i32
          %dma_wait3A_36 = tpu.memref_slice %arg3[%add3A_29, %dma_wait3A] : memref<2560x128xi32, #tpu.memory_space<hbm>> -> memref<16x128xi32, #tpu.memory_space<hbm>>
          %dma_wait3A_37 = arith.constant 0 : i32
          %dma_wait3A_38 = tpu.memref_slice %arg3[%add3A_29, %dma_wait3A_37] : memref<2560x128xi32, #tpu.memory_space<hbm>> -> memref<16x128xi32, #tpu.memory_space<hbm>>
          tpu.wait_dma2 semaphore(%run_scoped3A_32 : memref<!tpu.dma_semaphore, #tpu.memory_space<semaphore_mem>>) src(%dma_wait3A_38 : memref<16x128xi32, #tpu.memory_space<hbm>>) dst(%run_scoped3A_8 : memref<16x128xi32, #tpu.memory_space<vmem>>)
          tpu.yield
        }) : () -> ()
        %parallel_loop3A = arith.constant 0 : i32
        %parallel_loop3A_30 = arith.constant 128 : i32
        %parallel_loop3A_31 = arith.constant 1 : i32
        scf.for %parallel_loop3A_32 = %parallel_loop3A to %parallel_loop3A_30 step %parallel_loop3A_31  : i32 {
          %parallel_loop3A_33 = arith.constant 8 : i32
          %parallel_loop3A_34 = arith.divsi %parallel_loop3A_32, %parallel_loop3A_33 : i32
          %parallel_loop3A_35 = arith.constant 0 : i32
          %parallel_loop3A_36 = arith.cmpi sgt, %parallel_loop3A_32, %parallel_loop3A_35 : i32
          %parallel_loop3A_37 = arith.extui %parallel_loop3A_36 : i1 to i32
          %parallel_loop3A_38 = arith.constant 0 : i32
          %parallel_loop3A_39 = arith.cmpi slt, %parallel_loop3A_32, %parallel_loop3A_38 : i32
          %parallel_loop3A_40 = arith.extui %parallel_loop3A_39 : i1 to i32
          %parallel_loop3A_41 = arith.subi %parallel_loop3A_37, %parallel_loop3A_40 : i32
          %parallel_loop3A_42 = arith.constant 0 : i32
          %parallel_loop3A_43 = arith.cmpi sgt, %parallel_loop3A_33, %parallel_loop3A_42 : i32
          %parallel_loop3A_44 = arith.extui %parallel_loop3A_43 : i1 to i32
          %parallel_loop3A_45 = arith.constant 0 : i32
          %parallel_loop3A_46 = arith.cmpi slt, %parallel_loop3A_33, %parallel_loop3A_45 : i32
          %parallel_loop3A_47 = arith.extui %parallel_loop3A_46 : i1 to i32
          %parallel_loop3A_48 = arith.subi %parallel_loop3A_44, %parallel_loop3A_47 : i32
          %parallel_loop3A_49 = arith.cmpi ne, %parallel_loop3A_41, %parallel_loop3A_48 : i32
          %parallel_loop3A_50 = arith.remsi %parallel_loop3A_32, %parallel_loop3A_33 : i32
          %parallel_loop3A_51 = arith.constant 0 : i32
          %parallel_loop3A_52 = arith.cmpi ne, %parallel_loop3A_50, %parallel_loop3A_51 : i32
          %parallel_loop3A_53 = arith.andi %parallel_loop3A_49, %parallel_loop3A_52 : i1
          %parallel_loop3A_54 = arith.constant 1 : i32
          %parallel_loop3A_55 = arith.subi %parallel_loop3A_34, %parallel_loop3A_54 : i32
          %parallel_loop3A_56 = arith.select %parallel_loop3A_53, %parallel_loop3A_55, %parallel_loop3A_34 : i32
          %parallel_loop3A_57 = arith.constant 8 : i32
          %parallel_loop3A_58 = arith.remsi %parallel_loop3A_32, %parallel_loop3A_57 : i32
          %parallel_loop3A_59 = arith.constant 16 : i32
          %parallel_loop3A_60 = arith.muli %parallel_loop3A_32, %parallel_loop3A_59 : i32
          %parallel_loop3A_61 = arith.index_cast %parallel_loop3A_60 : i32 to index
          %parallel_loop3A_62 = tpu.vector_load %run_scoped3A_7[%parallel_loop3A_61] {strides = array<i32>} : memref<2048xi32, #tpu.memory_space<vmem>>, vector<16xi32>,
          %parallel_loop3A_63 = arith.constant 16 : i32
          %parallel_loop3A_64 = arith.muli %parallel_loop3A_58, %parallel_loop3A_63 : i32
          %parallel_loop3A_65 = arith.index_cast %parallel_loop3A_56 : i32 to index
          %parallel_loop3A_66 = arith.index_cast %parallel_loop3A_64 : i32 to index
          %parallel_loop3A_67 = tpu.vector_load %run_scoped3A_8[%parallel_loop3A_65, %parallel_loop3A_66] {strides = array<i32>} : memref<16x128xi32, #tpu.memory_space<vmem>>, vector<16xi32>,
          %parallel_loop3A_68 = tpu.vector_load_idx %run_scoped3A[%parallel_loop3A_62] : memref<10240xf32, #tpu.memory_space<vmem>>[vector<16xi32>], vector<16xf32>,
          %parallel_loop3A_69 = tpu.vector_load_idx %run_scoped3A_5[%parallel_loop3A_67] : memref<10240xf32, #tpu.memory_space<vmem>>[vector<16xi32>], vector<16xf32>,
          %parallel_loop3A_70 = arith.addf %parallel_loop3A_68, %parallel_loop3A_69 : vector<16xf32>
          %parallel_loop3A_71 = arith.constant 0.000000e+00 : f32
          %parallel_loop3A_72 = vector.broadcast %parallel_loop3A_71 : f32 to vector<16xf32>
          %parallel_loop3A_73 = arith.cmpf oge, %parallel_loop3A_70, %parallel_loop3A_72 : vector<16xf32>
          %parallel_loop3A_74 = arith.constant 2.000000e-01 : f32
          %parallel_loop3A_75 = vector.broadcast %parallel_loop3A_74 : f32 to vector<16xf32>
          %parallel_loop3A_76 = arith.mulf %parallel_loop3A_70, %parallel_loop3A_75 : vector<16xf32>
          %parallel_loop3A_77 = arith.select %parallel_loop3A_73, %parallel_loop3A_70, %parallel_loop3A_76 : vector<16xi1>, vector<16xf32>
          %parallel_loop3A_78 = math.exp %parallel_loop3A_77 : vector<16xf32>
          %parallel_loop3A_79 = arith.constant 16 : i32
          %parallel_loop3A_80 = arith.muli %parallel_loop3A_32, %parallel_loop3A_79 : i32
          %parallel_loop3A_81 = arith.addi %add3A_26, %parallel_loop3A_80 : i32
          %parallel_loop3A_82 = tpu.iota {dimensions = array<i32: 0>} : vector<16xi32>
          %parallel_loop3A_83 = vector.broadcast %parallel_loop3A_81 : i32 to vector<16xi32>
          %parallel_loop3A_84 = arith.addi %parallel_loop3A_83, %parallel_loop3A_82 : vector<16xi32>
          %parallel_loop3A_85 = arith.constant 320000 : i32
          %parallel_loop3A_86 = vector.broadcast %parallel_loop3A_85 : i32 to vector<16xi32>
          %parallel_loop3A_87 = arith.cmpi slt, %parallel_loop3A_84, %parallel_loop3A_86 : vector<16xi32>
          %parallel_loop3A_88 = arith.constant 0.000000e+00 : f32
          %parallel_loop3A_89 = vector.broadcast %parallel_loop3A_88 : f32 to vector<16xf32>
          %parallel_loop3A_90 = arith.select %parallel_loop3A_87, %parallel_loop3A_78, %parallel_loop3A_89 : vector<16xi1>, vector<16xf32>
          %parallel_loop3A_91 = arith.constant 16 : i32
          %parallel_loop3A_92 = arith.muli %parallel_loop3A_32, %parallel_loop3A_91 : i32
          %parallel_loop3A_93 = arith.index_cast %parallel_loop3A_92 : i32 to index
          %parallel_loop3A_94 = tpu.vector_load %run_scoped3A_9[%parallel_loop3A_93] {strides = array<i32>} : memref<2048xf32, #tpu.memory_space<vmem>>, vector<16xf32>,
          tpu.vector_store %run_scoped3A_9[%parallel_loop3A_93], %parallel_loop3A_90 {strides = array<i32>} : memref<2048xf32, #tpu.memory_space<vmem>>, vector<16xf32>,
          tpu.vector_store_idx %run_scoped3A_6[%parallel_loop3A_67], %parallel_loop3A_90 {add = true} : memref<10112xf32, #tpu.memory_space<vmem>>[vector<16xi32>], vector<16xf32>,
        } {sc.loop_unroll_factor = 2 : i64, sc.parallel_access}
        "tpu.region"() ({
          %run_scoped3A_32 = tpu.sem_alloc : memref<!tpu.dma_semaphore, #tpu.memory_space<semaphore_mem>>
          %dma_start3A = tpu.memref_slice %arg8[%add3A_26] : memref<327680xf32, #tpu.memory_space<hbm>> -> memref<2048xf32, #tpu.memory_space<hbm>>
          %dma_start3A_33 = tpu.memref_slice %arg8[%add3A_26] : memref<327680xf32, #tpu.memory_space<hbm>> -> memref<2048xf32, #tpu.memory_space<hbm>>
          tpu.enqueue_dma source(%run_scoped3A_9 : memref<2048xf32, #tpu.memory_space<vmem>>) target(%dma_start3A_33 : memref<2048xf32, #tpu.memory_space<hbm>>) target_semaphore(%run_scoped3A_32 : memref<!tpu.dma_semaphore, #tpu.memory_space<semaphore_mem>>)
          %dma_wait3A = tpu.memref_slice %arg8[%add3A_26] : memref<327680xf32, #tpu.memory_space<hbm>> -> memref<2048xf32, #tpu.memory_space<hbm>>
          %dma_wait3A_34 = tpu.memref_slice %arg8[%add3A_26] : memref<327680xf32, #tpu.memory_space<hbm>> -> memref<2048xf32, #tpu.memory_space<hbm>>
          tpu.wait_dma2 semaphore(%run_scoped3A_32 : memref<!tpu.dma_semaphore, #tpu.memory_space<semaphore_mem>>) src(%run_scoped3A_9 : memref<2048xf32, #tpu.memory_space<vmem>>) dst(%dma_wait3A_34 : memref<2048xf32, #tpu.memory_space<hbm>>)
          tpu.yield
        }) : () -> ()
      }
      %scan3A_20 = arith.constant 5 : i32
      %mul3A_21 = arith.constant 10112 : i32
      %mul3A_22 = arith.muli %add3A, %mul3A_21 : i32
      "tpu.region"() ({
        %run_scoped3A_23 = tpu.sem_alloc : memref<!tpu.dma_semaphore, #tpu.memory_space<semaphore_mem>>
        %dma_start3A = tpu.memref_slice %arg9[%mul3A_22] : memref<323584xf32, #tpu.memory_space<hbm>> -> memref<10112xf32, #tpu.memory_space<hbm>>
        %dma_start3A_24 = tpu.memref_slice %arg9[%mul3A_22] : memref<323584xf32, #tpu.memory_space<hbm>> -> memref<10112xf32, #tpu.memory_space<hbm>>
        tpu.enqueue_dma source(%run_scoped3A_6 : memref<10112xf32, #tpu.memory_space<vmem>>) target(%dma_start3A_24 : memref<10112xf32, #tpu.memory_space<hbm>>) target_semaphore(%run_scoped3A_23 : memref<!tpu.dma_semaphore, #tpu.memory_space<semaphore_mem>>)
        %dma_wait3A = tpu.memref_slice %arg9[%mul3A_22] : memref<323584xf32, #tpu.memory_space<hbm>> -> memref<10112xf32, #tpu.memory_space<hbm>>
        %dma_wait3A_25 = tpu.memref_slice %arg9[%mul3A_22] : memref<323584xf32, #tpu.memory_space<hbm>> -> memref<10112xf32, #tpu.memory_space<hbm>>
        tpu.wait_dma2 semaphore(%run_scoped3A_23 : memref<!tpu.dma_semaphore, #tpu.memory_space<semaphore_mem>>) src(%run_scoped3A_6 : memref<10112xf32, #tpu.memory_space<vmem>>) dst(%dma_wait3A_25 : memref<10112xf32, #tpu.memory_space<hbm>>)
        tpu.yield
      }) : () -> ()
      tpu.yield
    }) : () -> ()
    "tpu.trace_stop"() : () -> ()
    "tpu.region"() ({
      %run_scoped3A = memref.alloca() : memref<128x128xf32, #tpu.memory_space<vmem>>
      %run_scoped3A_5 = memref.alloca() : memref<128x128xf32, #tpu.memory_space<vmem>>
      %run_scoped3A_6 = memref.alloca() : memref<2048xi32, #tpu.memory_space<vmem>>
      %run_scoped3A_7 = memref.alloca() : memref<16x128xi32, #tpu.memory_space<vmem>>
      %run_scoped3A_8 = memref.alloca() : memref<2064xf32, #tpu.memory_space<vmem>>
      %run_scoped3A_9 = memref.alloca() : memref<1x128xi32, #tpu.memory_space<vmem>>
      %run_scoped3A_10 = memref.alloca() : memref<1x128xi32, #tpu.memory_space<vmem>>
      %run_scoped3A_11 = memref.alloca() : memref<144xf32, #tpu.memory_space<vmem>>
      %mul3A_12 = arith.constant 632 : i32
      %mul3A_13 = arith.muli %arg1, %mul3A_12 : i32
      %scan3A = arith.constant 0 : i32
      %scan3A_14 = arith.constant 0 : i32
      %scan3A_15 = arith.constant 128 : i32
      %scan3A_16 = arith.addi %scan3A_14, %scan3A_15 : i32
      %scan3A_17 = arith.constant 1 : i32
      scf.for %scan3A_69 = %scan3A_14 to %scan3A_16 step %scan3A_17  : i32 {
        %broadcast_in_dim3A = arith.constant 0.000000e+00 : f32
        %broadcast_in_dim3A_70 = vector.broadcast %broadcast_in_dim3A : f32 to vector<16xf32>
        %swap3A = arith.index_cast %scan3A_69 : i32 to index
        %swap3A_71 = arith.constant 0 : index
        %swap3A_72 = tpu.vector_load %run_scoped3A[%swap3A, %swap3A_71] {strides = array<i32>} : memref<128x128xf32, #tpu.memory_space<vmem>>, vector<16xf32>,
        tpu.vector_store %run_scoped3A[%swap3A, %swap3A_71], %broadcast_in_dim3A_70 {strides = array<i32>} : memref<128x128xf32, #tpu.memory_space<vmem>>, vector<16xf32>,
        %broadcast_in_dim3A_73 = arith.constant 0.000000e+00 : f32
        %broadcast_in_dim3A_74 = vector.broadcast %broadcast_in_dim3A_73 : f32 to vector<16xf32>
        %swap3A_75 = arith.index_cast %scan3A_69 : i32 to index
        %swap3A_76 = arith.constant 16 : index
        %swap3A_77 = tpu.vector_load %run_scoped3A[%swap3A_75, %swap3A_76] {strides = array<i32>} : memref<128x128xf32, #tpu.memory_space<vmem>>, vector<16xf32>,
        tpu.vector_store %run_scoped3A[%swap3A_75, %swap3A_76], %broadcast_in_dim3A_74 {strides = array<i32>} : memref<128x128xf32, #tpu.memory_space<vmem>>, vector<16xf32>,
        %broadcast_in_dim3A_78 = arith.constant 0.000000e+00 : f32
        %broadcast_in_dim3A_79 = vector.broadcast %broadcast_in_dim3A_78 : f32 to vector<16xf32>
        %swap3A_80 = arith.index_cast %scan3A_69 : i32 to index
        %swap3A_81 = arith.constant 32 : index
        %swap3A_82 = tpu.vector_load %run_scoped3A[%swap3A_80, %swap3A_81] {strides = array<i32>} : memref<128x128xf32, #tpu.memory_space<vmem>>, vector<16xf32>,
        tpu.vector_store %run_scoped3A[%swap3A_80, %swap3A_81], %broadcast_in_dim3A_79 {strides = array<i32>} : memref<128x128xf32, #tpu.memory_space<vmem>>, vector<16xf32>,
        %broadcast_in_dim3A_83 = arith.constant 0.000000e+00 : f32
        %broadcast_in_dim3A_84 = vector.broadcast %broadcast_in_dim3A_83 : f32 to vector<16xf32>
        %swap3A_85 = arith.index_cast %scan3A_69 : i32 to index
        %swap3A_86 = arith.constant 48 : index
        %swap3A_87 = tpu.vector_load %run_scoped3A[%swap3A_85, %swap3A_86] {strides = array<i32>} : memref<128x128xf32, #tpu.memory_space<vmem>>, vector<16xf32>,
        tpu.vector_store %run_scoped3A[%swap3A_85, %swap3A_86], %broadcast_in_dim3A_84 {strides = array<i32>} : memref<128x128xf32, #tpu.memory_space<vmem>>, vector<16xf32>,
        %broadcast_in_dim3A_88 = arith.constant 0.000000e+00 : f32
        %broadcast_in_dim3A_89 = vector.broadcast %broadcast_in_dim3A_88 : f32 to vector<16xf32>
        %swap3A_90 = arith.index_cast %scan3A_69 : i32 to index
        %swap3A_91 = arith.constant 64 : index
        %swap3A_92 = tpu.vector_load %run_scoped3A[%swap3A_90, %swap3A_91] {strides = array<i32>} : memref<128x128xf32, #tpu.memory_space<vmem>>, vector<16xf32>,
        tpu.vector_store %run_scoped3A[%swap3A_90, %swap3A_91], %broadcast_in_dim3A_89 {strides = array<i32>} : memref<128x128xf32, #tpu.memory_space<vmem>>, vector<16xf32>,
        %broadcast_in_dim3A_93 = arith.constant 0.000000e+00 : f32
        %broadcast_in_dim3A_94 = vector.broadcast %broadcast_in_dim3A_93 : f32 to vector<16xf32>
        %swap3A_95 = arith.index_cast %scan3A_69 : i32 to index
        %swap3A_96 = arith.constant 80 : index
        %swap3A_97 = tpu.vector_load %run_scoped3A[%swap3A_95, %swap3A_96] {strides = array<i32>} : memref<128x128xf32, #tpu.memory_space<vmem>>, vector<16xf32>,
        tpu.vector_store %run_scoped3A[%swap3A_95, %swap3A_96], %broadcast_in_dim3A_94 {strides = array<i32>} : memref<128x128xf32, #tpu.memory_space<vmem>>, vector<16xf32>,
        %broadcast_in_dim3A_98 = arith.constant 0.000000e+00 : f32
        %broadcast_in_dim3A_99 = vector.broadcast %broadcast_in_dim3A_98 : f32 to vector<16xf32>
        %swap3A_100 = arith.index_cast %scan3A_69 : i32 to index
        %swap3A_101 = arith.constant 96 : index
        %swap3A_102 = tpu.vector_load %run_scoped3A[%swap3A_100, %swap3A_101] {strides = array<i32>} : memref<128x128xf32, #tpu.memory_space<vmem>>, vector<16xf32>,
        tpu.vector_store %run_scoped3A[%swap3A_100, %swap3A_101], %broadcast_in_dim3A_99 {strides = array<i32>} : memref<128x128xf32, #tpu.memory_space<vmem>>, vector<16xf32>,
        %broadcast_in_dim3A_103 = arith.constant 0.000000e+00 : f32
        %broadcast_in_dim3A_104 = vector.broadcast %broadcast_in_dim3A_103 : f32 to vector<16xf32>
        %swap3A_105 = arith.index_cast %scan3A_69 : i32 to index
        %swap3A_106 = arith.constant 112 : index
        %swap3A_107 = tpu.vector_load %run_scoped3A[%swap3A_105, %swap3A_106] {strides = array<i32>} : memref<128x128xf32, #tpu.memory_space<vmem>>, vector<16xf32>,
        tpu.vector_store %run_scoped3A[%swap3A_105, %swap3A_106], %broadcast_in_dim3A_104 {strides = array<i32>} : memref<128x128xf32, #tpu.memory_space<vmem>>, vector<16xf32>,
      }
      %scan3A_18 = arith.constant 128 : i32
      %add3A_19 = arith.constant 0 : i32
      %add3A_20 = arith.addi %mul3A_13, %add3A_19 : i32
      "tpu.region"() ({
        %run_scoped3A_69 = tpu.sem_alloc : memref<!tpu.dma_semaphore, #tpu.memory_space<semaphore_mem>>
        %dma_start3A_70 = arith.constant 0 : i32
        %dma_start3A_71 = tpu.memref_slice %arg10[%add3A_20, %dma_start3A_70] : memref<10112x128xf32, #tpu.memory_space<vmem_shared>> -> memref<128x128xf32, #tpu.memory_space<vmem_shared>>
        %dma_start3A_72 = arith.constant 0 : i32
        %dma_start3A_73 = tpu.memref_slice %arg10[%add3A_20, %dma_start3A_72] : memref<10112x128xf32, #tpu.memory_space<vmem_shared>> -> memref<128x128xf32, #tpu.memory_space<vmem_shared>>
        tpu.enqueue_dma source(%run_scoped3A : memref<128x128xf32, #tpu.memory_space<vmem>>) target(%dma_start3A_73 : memref<128x128xf32, #tpu.memory_space<vmem_shared>>) target_semaphore(%run_scoped3A_69 : memref<!tpu.dma_semaphore, #tpu.memory_space<semaphore_mem>>)
        %dma_wait3A_74 = arith.constant 0 : i32
        %dma_wait3A_75 = tpu.memref_slice %arg10[%add3A_20, %dma_wait3A_74] : memref<10112x128xf32, #tpu.memory_space<vmem_shared>> -> memref<128x128xf32, #tpu.memory_space<vmem_shared>>
        %dma_wait3A_76 = arith.constant 0 : i32
        %dma_wait3A_77 = tpu.memref_slice %arg10[%add3A_20, %dma_wait3A_76] : memref<10112x128xf32, #tpu.memory_space<vmem_shared>> -> memref<128x128xf32, #tpu.memory_space<vmem_shared>>
        tpu.wait_dma2 semaphore(%run_scoped3A_69 : memref<!tpu.dma_semaphore, #tpu.memory_space<semaphore_mem>>) src(%run_scoped3A : memref<128x128xf32, #tpu.memory_space<vmem>>) dst(%dma_wait3A_77 : memref<128x128xf32, #tpu.memory_space<vmem_shared>>)
        tpu.yield
      }) : () -> ()
      %add3A_21 = arith.constant 128 : i32
      %add3A_22 = arith.addi %mul3A_13, %add3A_21 : i32
      "tpu.region"() ({
        %run_scoped3A_69 = tpu.sem_alloc : memref<!tpu.dma_semaphore, #tpu.memory_space<semaphore_mem>>
        %dma_start3A_70 = arith.constant 0 : i32
        %dma_start3A_71 = tpu.memref_slice %arg10[%add3A_22, %dma_start3A_70] : memref<10112x128xf32, #tpu.memory_space<vmem_shared>> -> memref<128x128xf32, #tpu.memory_space<vmem_shared>>
        %dma_start3A_72 = arith.constant 0 : i32
        %dma_start3A_73 = tpu.memref_slice %arg10[%add3A_22, %dma_start3A_72] : memref<10112x128xf32, #tpu.memory_space<vmem_shared>> -> memref<128x128xf32, #tpu.memory_space<vmem_shared>>
        tpu.enqueue_dma source(%run_scoped3A : memref<128x128xf32, #tpu.memory_space<vmem>>) target(%dma_start3A_73 : memref<128x128xf32, #tpu.memory_space<vmem_shared>>) target_semaphore(%run_scoped3A_69 : memref<!tpu.dma_semaphore, #tpu.memory_space<semaphore_mem>>)
        %dma_wait3A_74 = arith.constant 0 : i32
        %dma_wait3A_75 = tpu.memref_slice %arg10[%add3A_22, %dma_wait3A_74] : memref<10112x128xf32, #tpu.memory_space<vmem_shared>> -> memref<128x128xf32, #tpu.memory_space<vmem_shared>>
        %dma_wait3A_76 = arith.constant 0 : i32
        %dma_wait3A_77 = tpu.memref_slice %arg10[%add3A_22, %dma_wait3A_76] : memref<10112x128xf32, #tpu.memory_space<vmem_shared>> -> memref<128x128xf32, #tpu.memory_space<vmem_shared>>
        tpu.wait_dma2 semaphore(%run_scoped3A_69 : memref<!tpu.dma_semaphore, #tpu.memory_space<semaphore_mem>>) src(%run_scoped3A : memref<128x128xf32, #tpu.memory_space<vmem>>) dst(%dma_wait3A_77 : memref<128x128xf32, #tpu.memory_space<vmem_shared>>)
        tpu.yield
      }) : () -> ()
      %add3A_23 = arith.constant 256 : i32
      %add3A_24 = arith.addi %mul3A_13, %add3A_23 : i32
      "tpu.region"() ({
        %run_scoped3A_69 = tpu.sem_alloc : memref<!tpu.dma_semaphore, #tpu.memory_space<semaphore_mem>>
        %dma_start3A_70 = arith.constant 0 : i32
        %dma_start3A_71 = tpu.memref_slice %arg10[%add3A_24, %dma_start3A_70] : memref<10112x128xf32, #tpu.memory_space<vmem_shared>> -> memref<128x128xf32, #tpu.memory_space<vmem_shared>>
        %dma_start3A_72 = arith.constant 0 : i32
        %dma_start3A_73 = tpu.memref_slice %arg10[%add3A_24, %dma_start3A_72] : memref<10112x128xf32, #tpu.memory_space<vmem_shared>> -> memref<128x128xf32, #tpu.memory_space<vmem_shared>>
        tpu.enqueue_dma source(%run_scoped3A : memref<128x128xf32, #tpu.memory_space<vmem>>) target(%dma_start3A_73 : memref<128x128xf32, #tpu.memory_space<vmem_shared>>) target_semaphore(%run_scoped3A_69 : memref<!tpu.dma_semaphore, #tpu.memory_space<semaphore_mem>>)
        %dma_wait3A_74 = arith.constant 0 : i32
        %dma_wait3A_75 = tpu.memref_slice %arg10[%add3A_24, %dma_wait3A_74] : memref<10112x128xf32, #tpu.memory_space<vmem_shared>> -> memref<128x128xf32, #tpu.memory_space<vmem_shared>>
        %dma_wait3A_76 = arith.constant 0 : i32
        %dma_wait3A_77 = tpu.memref_slice %arg10[%add3A_24, %dma_wait3A_76] : memref<10112x128xf32, #tpu.memory_space<vmem_shared>> -> memref<128x128xf32, #tpu.memory_space<vmem_shared>>
        tpu.wait_dma2 semaphore(%run_scoped3A_69 : memref<!tpu.dma_semaphore, #tpu.memory_space<semaphore_mem>>) src(%run_scoped3A : memref<128x128xf32, #tpu.memory_space<vmem>>) dst(%dma_wait3A_77 : memref<128x128xf32, #tpu.memory_space<vmem_shared>>)
        tpu.yield
      }) : () -> ()
      %add3A_25 = arith.constant 384 : i32
      %add3A_26 = arith.addi %mul3A_13, %add3A_25 : i32
      "tpu.region"() ({
        %run_scoped3A_69 = tpu.sem_alloc : memref<!tpu.dma_semaphore, #tpu.memory_space<semaphore_mem>>
        %dma_start3A_70 = arith.constant 0 : i32
        %dma_start3A_71 = tpu.memref_slice %arg10[%add3A_26, %dma_start3A_70] : memref<10112x128xf32, #tpu.memory_space<vmem_shared>> -> memref<128x128xf32, #tpu.memory_space<vmem_shared>>
        %dma_start3A_72 = arith.constant 0 : i32
        %dma_start3A_73 = tpu.memref_slice %arg10[%add3A_26, %dma_start3A_72] : memref<10112x128xf32, #tpu.memory_space<vmem_shared>> -> memref<128x128xf32, #tpu.memory_space<vmem_shared>>
        tpu.enqueue_dma source(%run_scoped3A : memref<128x128xf32, #tpu.memory_space<vmem>>) target(%dma_start3A_73 : memref<128x128xf32, #tpu.memory_space<vmem_shared>>) target_semaphore(%run_scoped3A_69 : memref<!tpu.dma_semaphore, #tpu.memory_space<semaphore_mem>>)
        %dma_wait3A_74 = arith.constant 0 : i32
        %dma_wait3A_75 = tpu.memref_slice %arg10[%add3A_26, %dma_wait3A_74] : memref<10112x128xf32, #tpu.memory_space<vmem_shared>> -> memref<128x128xf32, #tpu.memory_space<vmem_shared>>
        %dma_wait3A_76 = arith.constant 0 : i32
        %dma_wait3A_77 = tpu.memref_slice %arg10[%add3A_26, %dma_wait3A_76] : memref<10112x128xf32, #tpu.memory_space<vmem_shared>> -> memref<128x128xf32, #tpu.memory_space<vmem_shared>>
        tpu.wait_dma2 semaphore(%run_scoped3A_69 : memref<!tpu.dma_semaphore, #tpu.memory_space<semaphore_mem>>) src(%run_scoped3A : memref<128x128xf32, #tpu.memory_space<vmem>>) dst(%dma_wait3A_77 : memref<128x128xf32, #tpu.memory_space<vmem_shared>>)
        tpu.yield
      }) : () -> ()
      %add3A_27 = arith.constant 512 : i32
      %add3A_28 = arith.addi %mul3A_13, %add3A_27 : i32
      "tpu.region"() ({
        %run_scoped3A_69 = tpu.sem_alloc : memref<!tpu.dma_semaphore, #tpu.memory_space<semaphore_mem>>
        %dma_start3A_70 = arith.constant 0 : i32
        %dma_start3A_71 = arith.constant 0 : i32
        %dma_start3A_72 = tpu.memref_slice %run_scoped3A[%dma_start3A_70, %dma_start3A_71] : memref<128x128xf32, #tpu.memory_space<vmem>> -> memref<120x128xf32, #tpu.memory_space<vmem>>
        %dma_start3A_73 = arith.constant 0 : i32
        %dma_start3A_74 = tpu.memref_slice %arg10[%add3A_28, %dma_start3A_73] : memref<10112x128xf32, #tpu.memory_space<vmem_shared>> -> memref<120x128xf32, #tpu.memory_space<vmem_shared>>
        %dma_start3A_75 = arith.constant 0 : i32
        %dma_start3A_76 = tpu.memref_slice %arg10[%add3A_28, %dma_start3A_75] : memref<10112x128xf32, #tpu.memory_space<vmem_shared>> -> memref<120x128xf32, #tpu.memory_space<vmem_shared>>
        %dma_start3A_77 = arith.constant 0 : i32
        %dma_start3A_78 = arith.constant 0 : i32
        %dma_start3A_79 = tpu.memref_slice %run_scoped3A[%dma_start3A_77, %dma_start3A_78] : memref<128x128xf32, #tpu.memory_space<vmem>> -> memref<120x128xf32, #tpu.memory_space<vmem>>
        tpu.enqueue_dma source(%dma_start3A_79 : memref<120x128xf32, #tpu.memory_space<vmem>>) target(%dma_start3A_76 : memref<120x128xf32, #tpu.memory_space<vmem_shared>>) target_semaphore(%run_scoped3A_69 : memref<!tpu.dma_semaphore, #tpu.memory_space<semaphore_mem>>)
        %dma_wait3A_80 = arith.constant 0 : i32
        %dma_wait3A_81 = arith.constant 0 : i32
        %dma_wait3A_82 = tpu.memref_slice %run_scoped3A[%dma_wait3A_80, %dma_wait3A_81] : memref<128x128xf32, #tpu.memory_space<vmem>> -> memref<120x128xf32, #tpu.memory_space<vmem>>
        %dma_wait3A_83 = arith.constant 0 : i32
        %dma_wait3A_84 = tpu.memref_slice %arg10[%add3A_28, %dma_wait3A_83] : memref<10112x128xf32, #tpu.memory_space<vmem_shared>> -> memref<120x128xf32, #tpu.memory_space<vmem_shared>>
        %dma_wait3A_85 = arith.constant 0 : i32
        %dma_wait3A_86 = tpu.memref_slice %arg10[%add3A_28, %dma_wait3A_85] : memref<10112x128xf32, #tpu.memory_space<vmem_shared>> -> memref<120x128xf32, #tpu.memory_space<vmem_shared>>
        %dma_wait3A_87 = arith.constant 0 : i32
        %dma_wait3A_88 = arith.constant 0 : i32
        %dma_wait3A_89 = tpu.memref_slice %run_scoped3A[%dma_wait3A_87, %dma_wait3A_88] : memref<128x128xf32, #tpu.memory_space<vmem>> -> memref<120x128xf32, #tpu.memory_space<vmem>>
        tpu.wait_dma2 semaphore(%run_scoped3A_69 : memref<!tpu.dma_semaphore, #tpu.memory_space<semaphore_mem>>) src(%dma_wait3A_89 : memref<120x128xf32, #tpu.memory_space<vmem>>) dst(%dma_wait3A_86 : memref<120x128xf32, #tpu.memory_space<vmem_shared>>)
        tpu.yield
      }) : () -> ()
      %barrier3A = arith.constant 0 : index
      tpu.barrier barrier_id(%barrier3A)
      "tpu.trace_start"() <{level = 10 : i32, message = "p2_pipeline"}> : () -> ()
      %add3A_29 = arith.constant 0 : i32
      %add3A_30 = arith.addi %mul3A_2, %add3A_29 : i32
      "tpu.region"() ({
        %run_scoped3A_69 = tpu.sem_alloc : memref<!tpu.dma_semaphore, #tpu.memory_space<semaphore_mem>>
        %dma_start3A_70 = tpu.memref_slice %arg2[%add3A_30] : memref<327680xi32, #tpu.memory_space<hbm>> -> memref<2048xi32, #tpu.memory_space<hbm>>
        %dma_start3A_71 = tpu.memref_slice %arg2[%add3A_30] : memref<327680xi32, #tpu.memory_space<hbm>> -> memref<2048xi32, #tpu.memory_space<hbm>>
        tpu.enqueue_dma source(%dma_start3A_71 : memref<2048xi32, #tpu.memory_space<hbm>>) target(%run_scoped3A_6 : memref<2048xi32, #tpu.memory_space<vmem>>) target_semaphore(%run_scoped3A_69 : memref<!tpu.dma_semaphore, #tpu.memory_space<semaphore_mem>>)
        %dma_wait3A_72 = tpu.memref_slice %arg2[%add3A_30] : memref<327680xi32, #tpu.memory_space<hbm>> -> memref<2048xi32, #tpu.memory_space<hbm>>
        %dma_wait3A_73 = tpu.memref_slice %arg2[%add3A_30] : memref<327680xi32, #tpu.memory_space<hbm>> -> memref<2048xi32, #tpu.memory_space<hbm>>
        tpu.wait_dma2 semaphore(%run_scoped3A_69 : memref<!tpu.dma_semaphore, #tpu.memory_space<semaphore_mem>>) src(%dma_wait3A_73 : memref<2048xi32, #tpu.memory_space<hbm>>) dst(%run_scoped3A_6 : memref<2048xi32, #tpu.memory_space<vmem>>)
        tpu.yield
      }) : () -> ()
      %add3A_31 = arith.constant 0 : i32
      %add3A_32 = arith.addi %mul3A_4, %add3A_31 : i32
      "tpu.region"() ({
        %run_scoped3A_69 = tpu.sem_alloc : memref<!tpu.dma_semaphore, #tpu.memory_space<semaphore_mem>>
        %dma_start3A_70 = arith.constant 0 : i32
        %dma_start3A_71 = tpu.memref_slice %arg3[%add3A_32, %dma_start3A_70] : memref<2560x128xi32, #tpu.memory_space<hbm>> -> memref<16x128xi32, #tpu.memory_space<hbm>>
        %dma_start3A_72 = arith.constant 0 : i32
        %dma_start3A_73 = tpu.memref_slice %arg3[%add3A_32, %dma_start3A_72] : memref<2560x128xi32, #tpu.memory_space<hbm>> -> memref<16x128xi32, #tpu.memory_space<hbm>>
        tpu.enqueue_dma source(%dma_start3A_73 : memref<16x128xi32, #tpu.memory_space<hbm>>) target(%run_scoped3A_7 : memref<16x128xi32, #tpu.memory_space<vmem>>) target_semaphore(%run_scoped3A_69 : memref<!tpu.dma_semaphore, #tpu.memory_space<semaphore_mem>>)
        %dma_wait3A_74 = arith.constant 0 : i32
        %dma_wait3A_75 = tpu.memref_slice %arg3[%add3A_32, %dma_wait3A_74] : memref<2560x128xi32, #tpu.memory_space<hbm>> -> memref<16x128xi32, #tpu.memory_space<hbm>>
        %dma_wait3A_76 = arith.constant 0 : i32
        %dma_wait3A_77 = tpu.memref_slice %arg3[%add3A_32, %dma_wait3A_76] : memref<2560x128xi32, #tpu.memory_space<hbm>> -> memref<16x128xi32, #tpu.memory_space<hbm>>
        tpu.wait_dma2 semaphore(%run_scoped3A_69 : memref<!tpu.dma_semaphore, #tpu.memory_space<semaphore_mem>>) src(%dma_wait3A_77 : memref<16x128xi32, #tpu.memory_space<hbm>>) dst(%run_scoped3A_7 : memref<16x128xi32, #tpu.memory_space<vmem>>)
        tpu.yield
      }) : () -> ()
      %add3A_33 = arith.constant 0 : i32
      %add3A_34 = arith.addi %mul3A_2, %add3A_33 : i32
      "tpu.region"() ({
        %run_scoped3A_69 = tpu.sem_alloc : memref<!tpu.dma_semaphore, #tpu.memory_space<semaphore_mem>>
        %dma_start3A_70 = arith.constant 0 : i32
        %dma_start3A_71 = tpu.memref_slice %run_scoped3A_8[%dma_start3A_70] : memref<2064xf32, #tpu.memory_space<vmem>> -> memref<2048xf32, #tpu.memory_space<vmem>>
        %dma_start3A_72 = tpu.memref_slice %arg8[%add3A_34] : memref<327680xf32, #tpu.memory_space<hbm>> -> memref<2048xf32, #tpu.memory_space<hbm>>
        %dma_start3A_73 = arith.constant 0 : i32
        %dma_start3A_74 = tpu.memref_slice %run_scoped3A_8[%dma_start3A_73] : memref<2064xf32, #tpu.memory_space<vmem>> -> memref<2048xf32, #tpu.memory_space<vmem>>
        %dma_start3A_75 = tpu.memref_slice %arg8[%add3A_34] : memref<327680xf32, #tpu.memory_space<hbm>> -> memref<2048xf32, #tpu.memory_space<hbm>>
        tpu.enqueue_dma source(%dma_start3A_75 : memref<2048xf32, #tpu.memory_space<hbm>>) target(%dma_start3A_74 : memref<2048xf32, #tpu.memory_space<vmem>>) target_semaphore(%run_scoped3A_69 : memref<!tpu.dma_semaphore, #tpu.memory_space<semaphore_mem>>)
        %dma_wait3A_76 = arith.constant 0 : i32
        %dma_wait3A_77 = tpu.memref_slice %run_scoped3A_8[%dma_wait3A_76] : memref<2064xf32, #tpu.memory_space<vmem>> -> memref<2048xf32, #tpu.memory_space<vmem>>
        %dma_wait3A_78 = tpu.memref_slice %arg8[%add3A_34] : memref<327680xf32, #tpu.memory_space<hbm>> -> memref<2048xf32, #tpu.memory_space<hbm>>
        %dma_wait3A_79 = arith.constant 0 : i32
        %dma_wait3A_80 = tpu.memref_slice %run_scoped3A_8[%dma_wait3A_79] : memref<2064xf32, #tpu.memory_space<vmem>> -> memref<2048xf32, #tpu.memory_space<vmem>>
        %dma_wait3A_81 = tpu.memref_slice %arg8[%add3A_34] : memref<327680xf32, #tpu.memory_space<hbm>> -> memref<2048xf32, #tpu.memory_space<hbm>>
        tpu.wait_dma2 semaphore(%run_scoped3A_69 : memref<!tpu.dma_semaphore, #tpu.memory_space<semaphore_mem>>) src(%dma_wait3A_81 : memref<2048xf32, #tpu.memory_space<hbm>>) dst(%dma_wait3A_80 : memref<2048xf32, #tpu.memory_space<vmem>>)
        tpu.yield
      }) : () -> ()
      %dma_start3A = arith.constant 0 : i32
      %dma_start3A_35 = tpu.memref_slice %run_scoped3A_6[%dma_start3A] : memref<2048xi32, #tpu.memory_space<vmem>> -> memref<128xi32, #tpu.memory_space<vmem>>
      %dma_start3A_36 = arith.constant 0 : i32
      %dma_start3A_37 = arith.constant 0 : i32
      %dma_start3A_38 = tpu.memref_slice %arg6[%dma_start3A_36, %dma_start3A_37] : memref<10240x128xf32, #tpu.memory_space<hbm>> -> memref<10240x128xf32, #tpu.memory_space<hbm>>
      tpu.enqueue_indirect_dma source(%dma_start3A_38 : memref<10240x128xf32, #tpu.memory_space<hbm>>) target(%run_scoped3A : memref<128x128xf32, #tpu.memory_space<vmem>>) offsets(%dma_start3A_35 : memref<128xi32, #tpu.memory_space<vmem>>) semaphore(%arg11 : memref<!tpu.dma_semaphore, #tpu.memory_space<semaphore_mem>>)
      %scan3A_39 = arith.constant 0 : i32
      %scan3A_40 = arith.constant 0 : i32
      %scan3A_41 = arith.constant 40 : i32
      %scan3A_42 = arith.addi %scan3A_40, %scan3A_41 : i32
      %scan3A_43 = arith.constant 1 : i32
      scf.for %scan3A_69 = %scan3A_40 to %scan3A_42 step %scan3A_43  : i32 {
        %mul3A_70 = arith.constant 2 : i32
        %mul3A_71 = arith.muli %scan3A_69, %mul3A_70 : i32
        %add3A_72 = arith.constant 1 : i32
        %add3A_73 = arith.addi %mul3A_71, %add3A_72 : i32
        %rem3A = arith.constant 16 : i32
        %rem3A_74 = arith.remsi %mul3A_71, %rem3A : i32
        %get3A = arith.index_cast %rem3A_74 : i32 to index
        %get3A_75 = arith.constant 0 : index
        %get3A_76 = tpu.vector_load %run_scoped3A_7[%get3A, %get3A_75] {strides = array<i32>} : memref<16x128xi32, #tpu.memory_space<vmem>>, vector<16xi32>,
        %swap3A = arith.constant 0 : i32
        %swap3A_77 = arith.index_cast %swap3A : i32 to index
        %swap3A_78 = arith.constant 0 : index
        %swap3A_79 = tpu.vector_load %run_scoped3A_9[%swap3A_77, %swap3A_78] {strides = array<i32>} : memref<1x128xi32, #tpu.memory_space<vmem>>, vector<16xi32>,
        tpu.vector_store %run_scoped3A_9[%swap3A_77, %swap3A_78], %get3A_76 {strides = array<i32>} : memref<1x128xi32, #tpu.memory_space<vmem>>, vector<16xi32>,
        %mul3A_80 = arith.constant 128 : i32
        %mul3A_81 = arith.muli %rem3A_74, %mul3A_80 : i32
        %add3A_82 = arith.constant 0 : i32
        %add3A_83 = arith.addi %mul3A_81, %add3A_82 : i32
        %get3A_84 = arith.index_cast %add3A_83 : i32 to index
        %get3A_85 = tpu.vector_load %run_scoped3A_8[%get3A_84] {strides = array<i32>} : memref<2064xf32, #tpu.memory_space<vmem>>, vector<16xf32>,
        %swap3A_86 = arith.constant 0 : index
        %swap3A_87 = tpu.vector_load %run_scoped3A_11[%swap3A_86] {strides = array<i32>} : memref<144xf32, #tpu.memory_space<vmem>>, vector<16xf32>,
        tpu.vector_store %run_scoped3A_11[%swap3A_86], %get3A_85 {strides = array<i32>} : memref<144xf32, #tpu.memory_space<vmem>>, vector<16xf32>,
        %get3A_88 = arith.index_cast %rem3A_74 : i32 to index
        %get3A_89 = arith.constant 16 : index
        %get3A_90 = tpu.vector_load %run_scoped3A_7[%get3A_88, %get3A_89] {strides = array<i32>} : memref<16x128xi32, #tpu.memory_space<vmem>>, vector<16xi32>,
        %swap3A_91 = arith.constant 0 : i32
        %swap3A_92 = arith.index_cast %swap3A_91 : i32 to index
        %swap3A_93 = arith.constant 16 : index
        %swap3A_94 = tpu.vector_load %run_scoped3A_9[%swap3A_92, %swap3A_93] {strides = array<i32>} : memref<1x128xi32, #tpu.memory_space<vmem>>, vector<16xi32>,
        tpu.vector_store %run_scoped3A_9[%swap3A_92, %swap3A_93], %get3A_90 {strides = array<i32>} : memref<1x128xi32, #tpu.memory_space<vmem>>, vector<16xi32>,
        %mul3A_95 = arith.constant 128 : i32
        %mul3A_96 = arith.muli %rem3A_74, %mul3A_95 : i32
        %add3A_97 = arith.constant 16 : i32
        %add3A_98 = arith.addi %mul3A_96, %add3A_97 : i32
        %get3A_99 = arith.index_cast %add3A_98 : i32 to index
        %get3A_100 = tpu.vector_load %run_scoped3A_8[%get3A_99] {strides = array<i32>} : memref<2064xf32, #tpu.memory_space<vmem>>, vector<16xf32>,
        %swap3A_101 = arith.constant 16 : index
        %swap3A_102 = tpu.vector_load %run_scoped3A_11[%swap3A_101] {strides = array<i32>} : memref<144xf32, #tpu.memory_space<vmem>>, vector<16xf32>,
        tpu.vector_store %run_scoped3A_11[%swap3A_101], %get3A_100 {strides = array<i32>} : memref<144xf32, #tpu.memory_space<vmem>>, vector<16xf32>,
        %get3A_103 = arith.index_cast %rem3A_74 : i32 to index
        %get3A_104 = arith.constant 32 : index
        %get3A_105 = tpu.vector_load %run_scoped3A_7[%get3A_103, %get3A_104] {strides = array<i32>} : memref<16x128xi32, #tpu.memory_space<vmem>>, vector<16xi32>,
        %swap3A_106 = arith.constant 0 : i32
        %swap3A_107 = arith.index_cast %swap3A_106 : i32 to index
        %swap3A_108 = arith.constant 32 : index
        %swap3A_109 = tpu.vector_load %run_scoped3A_9[%swap3A_107, %swap3A_108] {strides = array<i32>} : memref<1x128xi32, #tpu.memory_space<vmem>>, vector<16xi32>,
        tpu.vector_store %run_scoped3A_9[%swap3A_107, %swap3A_108], %get3A_105 {strides = array<i32>} : memref<1x128xi32, #tpu.memory_space<vmem>>, vector<16xi32>,
        %mul3A_110 = arith.constant 128 : i32
        %mul3A_111 = arith.muli %rem3A_74, %mul3A_110 : i32
        %add3A_112 = arith.constant 32 : i32
        %add3A_113 = arith.addi %mul3A_111, %add3A_112 : i32
        %get3A_114 = arith.index_cast %add3A_113 : i32 to index
        %get3A_115 = tpu.vector_load %run_scoped3A_8[%get3A_114] {strides = array<i32>} : memref<2064xf32, #tpu.memory_space<vmem>>, vector<16xf32>,
        %swap3A_116 = arith.constant 32 : index
        %swap3A_117 = tpu.vector_load %run_scoped3A_11[%swap3A_116] {strides = array<i32>} : memref<144xf32, #tpu.memory_space<vmem>>, vector<16xf32>,
        tpu.vector_store %run_scoped3A_11[%swap3A_116], %get3A_115 {strides = array<i32>} : memref<144xf32, #tpu.memory_space<vmem>>, vector<16xf32>,
        %get3A_118 = arith.index_cast %rem3A_74 : i32 to index
        %get3A_119 = arith.constant 48 : index
        %get3A_120 = tpu.vector_load %run_scoped3A_7[%get3A_118, %get3A_119] {strides = array<i32>} : memref<16x128xi32, #tpu.memory_space<vmem>>, vector<16xi32>,
        %swap3A_121 = arith.constant 0 : i32
        %swap3A_122 = arith.index_cast %swap3A_121 : i32 to index
        %swap3A_123 = arith.constant 48 : index
        %swap3A_124 = tpu.vector_load %run_scoped3A_9[%swap3A_122, %swap3A_123] {strides = array<i32>} : memref<1x128xi32, #tpu.memory_space<vmem>>, vector<16xi32>,
        tpu.vector_store %run_scoped3A_9[%swap3A_122, %swap3A_123], %get3A_120 {strides = array<i32>} : memref<1x128xi32, #tpu.memory_space<vmem>>, vector<16xi32>,
        %mul3A_125 = arith.constant 128 : i32
        %mul3A_126 = arith.muli %rem3A_74, %mul3A_125 : i32
        %add3A_127 = arith.constant 48 : i32
        %add3A_128 = arith.addi %mul3A_126, %add3A_127 : i32
        %get3A_129 = arith.index_cast %add3A_128 : i32 to index
        %get3A_130 = tpu.vector_load %run_scoped3A_8[%get3A_129] {strides = array<i32>} : memref<2064xf32, #tpu.memory_space<vmem>>, vector<16xf32>,
        %swap3A_131 = arith.constant 48 : index
        %swap3A_132 = tpu.vector_load %run_scoped3A_11[%swap3A_131] {strides = array<i32>} : memref<144xf32, #tpu.memory_space<vmem>>, vector<16xf32>,
        tpu.vector_store %run_scoped3A_11[%swap3A_131], %get3A_130 {strides = array<i32>} : memref<144xf32, #tpu.memory_space<vmem>>, vector<16xf32>,
        %get3A_133 = arith.index_cast %rem3A_74 : i32 to index
        %get3A_134 = arith.constant 64 : index
        %get3A_135 = tpu.vector_load %run_scoped3A_7[%get3A_133, %get3A_134] {strides = array<i32>} : memref<16x128xi32, #tpu.memory_space<vmem>>, vector<16xi32>,
        %swap3A_136 = arith.constant 0 : i32
        %swap3A_137 = arith.index_cast %swap3A_136 : i32 to index
        %swap3A_138 = arith.constant 64 : index
        %swap3A_139 = tpu.vector_load %run_scoped3A_9[%swap3A_137, %swap3A_138] {strides = array<i32>} : memref<1x128xi32, #tpu.memory_space<vmem>>, vector<16xi32>,
        tpu.vector_store %run_scoped3A_9[%swap3A_137, %swap3A_138], %get3A_135 {strides = array<i32>} : memref<1x128xi32, #tpu.memory_space<vmem>>, vector<16xi32>,
        %mul3A_140 = arith.constant 128 : i32
        %mul3A_141 = arith.muli %rem3A_74, %mul3A_140 : i32
        %add3A_142 = arith.constant 64 : i32
        %add3A_143 = arith.addi %mul3A_141, %add3A_142 : i32
        %get3A_144 = arith.index_cast %add3A_143 : i32 to index
        %get3A_145 = tpu.vector_load %run_scoped3A_8[%get3A_144] {strides = array<i32>} : memref<2064xf32, #tpu.memory_space<vmem>>, vector<16xf32>,
        %swap3A_146 = arith.constant 64 : index
        %swap3A_147 = tpu.vector_load %run_scoped3A_11[%swap3A_146] {strides = array<i32>} : memref<144xf32, #tpu.memory_space<vmem>>, vector<16xf32>,
        tpu.vector_store %run_scoped3A_11[%swap3A_146], %get3A_145 {strides = array<i32>} : memref<144xf32, #tpu.memory_space<vmem>>, vector<16xf32>,
        %get3A_148 = arith.index_cast %rem3A_74 : i32 to index
        %get3A_149 = arith.constant 80 : index
        %get3A_150 = tpu.vector_load %run_scoped3A_7[%get3A_148, %get3A_149] {strides = array<i32>} : memref<16x128xi32, #tpu.memory_space<vmem>>, vector<16xi32>,
        %swap3A_151 = arith.constant 0 : i32
        %swap3A_152 = arith.index_cast %swap3A_151 : i32 to index
        %swap3A_153 = arith.constant 80 : index
        %swap3A_154 = tpu.vector_load %run_scoped3A_9[%swap3A_152, %swap3A_153] {strides = array<i32>} : memref<1x128xi32, #tpu.memory_space<vmem>>, vector<16xi32>,
        tpu.vector_store %run_scoped3A_9[%swap3A_152, %swap3A_153], %get3A_150 {strides = array<i32>} : memref<1x128xi32, #tpu.memory_space<vmem>>, vector<16xi32>,
        %mul3A_155 = arith.constant 128 : i32
        %mul3A_156 = arith.muli %rem3A_74, %mul3A_155 : i32
        %add3A_157 = arith.constant 80 : i32
        %add3A_158 = arith.addi %mul3A_156, %add3A_157 : i32
        %get3A_159 = arith.index_cast %add3A_158 : i32 to index
        %get3A_160 = tpu.vector_load %run_scoped3A_8[%get3A_159] {strides = array<i32>} : memref<2064xf32, #tpu.memory_space<vmem>>, vector<16xf32>,
        %swap3A_161 = arith.constant 80 : index
        %swap3A_162 = tpu.vector_load %run_scoped3A_11[%swap3A_161] {strides = array<i32>} : memref<144xf32, #tpu.memory_space<vmem>>, vector<16xf32>,
        tpu.vector_store %run_scoped3A_11[%swap3A_161], %get3A_160 {strides = array<i32>} : memref<144xf32, #tpu.memory_space<vmem>>, vector<16xf32>,
        %get3A_163 = arith.index_cast %rem3A_74 : i32 to index
        %get3A_164 = arith.constant 96 : index
        %get3A_165 = tpu.vector_load %run_scoped3A_7[%get3A_163, %get3A_164] {strides = array<i32>} : memref<16x128xi32, #tpu.memory_space<vmem>>, vector<16xi32>,
        %swap3A_166 = arith.constant 0 : i32
        %swap3A_167 = arith.index_cast %swap3A_166 : i32 to index
        %swap3A_168 = arith.constant 96 : index
        %swap3A_169 = tpu.vector_load %run_scoped3A_9[%swap3A_167, %swap3A_168] {strides = array<i32>} : memref<1x128xi32, #tpu.memory_space<vmem>>, vector<16xi32>,
        tpu.vector_store %run_scoped3A_9[%swap3A_167, %swap3A_168], %get3A_165 {strides = array<i32>} : memref<1x128xi32, #tpu.memory_space<vmem>>, vector<16xi32>,
        %mul3A_170 = arith.constant 128 : i32
        %mul3A_171 = arith.muli %rem3A_74, %mul3A_170 : i32
        %add3A_172 = arith.constant 96 : i32
        %add3A_173 = arith.addi %mul3A_171, %add3A_172 : i32
        %get3A_174 = arith.index_cast %add3A_173 : i32 to index
        %get3A_175 = tpu.vector_load %run_scoped3A_8[%get3A_174] {strides = array<i32>} : memref<2064xf32, #tpu.memory_space<vmem>>, vector<16xf32>,
        %swap3A_176 = arith.constant 96 : index
        %swap3A_177 = tpu.vector_load %run_scoped3A_11[%swap3A_176] {strides = array<i32>} : memref<144xf32, #tpu.memory_space<vmem>>, vector<16xf32>,
        tpu.vector_store %run_scoped3A_11[%swap3A_176], %get3A_175 {strides = array<i32>} : memref<144xf32, #tpu.memory_space<vmem>>, vector<16xf32>,
        %get3A_178 = arith.index_cast %rem3A_74 : i32 to index
        %get3A_179 = arith.constant 112 : index
        %get3A_180 = tpu.vector_load %run_scoped3A_7[%get3A_178, %get3A_179] {strides = array<i32>} : memref<16x128xi32, #tpu.memory_space<vmem>>, vector<16xi32>,
        %swap3A_181 = arith.constant 0 : i32
        %swap3A_182 = arith.index_cast %swap3A_181 : i32 to index
        %swap3A_183 = arith.constant 112 : index
        %swap3A_184 = tpu.vector_load %run_scoped3A_9[%swap3A_182, %swap3A_183] {strides = array<i32>} : memref<1x128xi32, #tpu.memory_space<vmem>>, vector<16xi32>,
        tpu.vector_store %run_scoped3A_9[%swap3A_182, %swap3A_183], %get3A_180 {strides = array<i32>} : memref<1x128xi32, #tpu.memory_space<vmem>>, vector<16xi32>,
        %mul3A_185 = arith.constant 128 : i32
        %mul3A_186 = arith.muli %rem3A_74, %mul3A_185 : i32
        %add3A_187 = arith.constant 112 : i32
        %add3A_188 = arith.addi %mul3A_186, %add3A_187 : i32
        %get3A_189 = arith.index_cast %add3A_188 : i32 to index
        %get3A_190 = tpu.vector_load %run_scoped3A_8[%get3A_189] {strides = array<i32>} : memref<2064xf32, #tpu.memory_space<vmem>>, vector<16xf32>,
        %swap3A_191 = arith.constant 112 : index
        %swap3A_192 = tpu.vector_load %run_scoped3A_11[%swap3A_191] {strides = array<i32>} : memref<144xf32, #tpu.memory_space<vmem>>, vector<16xf32>,
        tpu.vector_store %run_scoped3A_11[%swap3A_191], %get3A_190 {strides = array<i32>} : memref<144xf32, #tpu.memory_space<vmem>>, vector<16xf32>,
        %ge3A = arith.constant 1 : i32
        %ge3A_193 = arith.cmpi sge, %scan3A_69, %ge3A : i32
        %convert_element_type3A = arith.extui %ge3A_193 : i1 to i32
        %cond3A = arith.constant 0 : i32
        %cond3A_194 = arith.cmpi ne, %convert_element_type3A, %cond3A : i32
        scf.if %cond3A_194 {
          %dma_wait3A_358 = arith.constant 0 : i32
          %dma_wait3A_359 = arith.constant 0 : i32
          %dma_wait3A_360 = tpu.memref_slice %run_scoped3A_10[%dma_wait3A_358, %dma_wait3A_359] : memref<1x128xi32, #tpu.memory_space<vmem>> -> memref<1x128xi32, #tpu.memory_space<vmem>>
          %dma_wait3A_361 = tpu.memref_squeeze %dma_wait3A_360 : memref<1x128xi32, #tpu.memory_space<vmem>> -> memref<128xi32, #tpu.memory_space<vmem>>
          %dma_wait3A_362 = arith.constant 0 : i32
          %dma_wait3A_363 = arith.constant 0 : i32
          %dma_wait3A_364 = tpu.memref_slice %arg10[%dma_wait3A_362, %dma_wait3A_363] : memref<10112x128xf32, #tpu.memory_space<vmem_shared>> -> memref<10112x128xf32, #tpu.memory_space<vmem_shared>>
          tpu.wait_indirect_dma semaphore(%arg14 : memref<!tpu.dma_semaphore, #tpu.memory_space<semaphore_mem>>) src(%run_scoped3A_5 : memref<128x128xf32, #tpu.memory_space<vmem>>) dst(%dma_wait3A_364 : memref<10112x128xf32, #tpu.memory_space<vmem_shared>>)
        } else {
        }
        %rem3A_195 = arith.constant 16 : i32
        %rem3A_196 = arith.remsi %add3A_73, %rem3A_195 : i32
        %mul3A_197 = arith.constant 128 : i32
        %mul3A_198 = arith.muli %rem3A_196, %mul3A_197 : i32
        %dma_start3A_199 = tpu.memref_slice %run_scoped3A_6[%mul3A_198] : memref<2048xi32, #tpu.memory_space<vmem>> -> memref<128xi32, #tpu.memory_space<vmem>>
        %dma_start3A_200 = arith.constant 0 : i32
        %dma_start3A_201 = arith.constant 0 : i32
        %dma_start3A_202 = tpu.memref_slice %arg6[%dma_start3A_200, %dma_start3A_201] : memref<10240x128xf32, #tpu.memory_space<hbm>> -> memref<10240x128xf32, #tpu.memory_space<hbm>>
        tpu.enqueue_indirect_dma source(%dma_start3A_202 : memref<10240x128xf32, #tpu.memory_space<hbm>>) target(%run_scoped3A_5 : memref<128x128xf32, #tpu.memory_space<vmem>>) offsets(%dma_start3A_199 : memref<128xi32, #tpu.memory_space<vmem>>) semaphore(%arg12 : memref<!tpu.dma_semaphore, #tpu.memory_space<semaphore_mem>>)
        %dma_wait3A_203 = arith.constant 0 : i32
        %dma_wait3A_204 = tpu.memref_slice %run_scoped3A_6[%dma_wait3A_203] : memref<2048xi32, #tpu.memory_space<vmem>> -> memref<128xi32, #tpu.memory_space<vmem>>
        %dma_wait3A_205 = arith.constant 0 : i32
        %dma_wait3A_206 = arith.constant 0 : i32
        %dma_wait3A_207 = tpu.memref_slice %arg6[%dma_wait3A_205, %dma_wait3A_206] : memref<10240x128xf32, #tpu.memory_space<hbm>> -> memref<10240x128xf32, #tpu.memory_space<hbm>>
        tpu.wait_indirect_dma semaphore(%arg11 : memref<!tpu.dma_semaphore, #tpu.memory_space<semaphore_mem>>) src(%dma_wait3A_207 : memref<10240x128xf32, #tpu.memory_space<hbm>>) dst(%run_scoped3A : memref<128x128xf32, #tpu.memory_space<vmem>>)
        %parallel_loop3A = arith.constant 0 : i32
        %parallel_loop3A_208 = arith.constant 128 : i32
        %parallel_loop3A_209 = arith.constant 1 : i32
        scf.for %parallel_loop3A_358 = %parallel_loop3A to %parallel_loop3A_208 step %parallel_loop3A_209  : i32 {
          %parallel_loop3A_359 = arith.index_cast %parallel_loop3A_358 : i32 to index
          %parallel_loop3A_360 = tpu.vector_load %run_scoped3A_11[%parallel_loop3A_359] {strides = array<i32>} : memref<144xf32, #tpu.memory_space<vmem>>, vector<16xf32>,
          %parallel_loop3A_361 = vector.extract_strided_slice %parallel_loop3A_360 {offsets = [0], sizes = [1], strides = [1]} : vector<16xf32> to vector<1xf32>
          %parallel_loop3A_362 = vector.extract %parallel_loop3A_361[0] : f32 from vector<1xf32>
          %parallel_loop3A_363 = arith.index_cast %parallel_loop3A_358 : i32 to index
          %parallel_loop3A_364 = arith.constant 0 : index
          %parallel_loop3A_365 = tpu.vector_load %run_scoped3A[%parallel_loop3A_363, %parallel_loop3A_364] {strides = array<i32>} : memref<128x128xf32, #tpu.memory_space<vmem>>, vector<16xf32>,
          %parallel_loop3A_366 = vector.broadcast %parallel_loop3A_362 : f32 to vector<16xf32>
          %parallel_loop3A_367 = arith.mulf %parallel_loop3A_365, %parallel_loop3A_366 : vector<16xf32>
          %parallel_loop3A_368 = arith.index_cast %parallel_loop3A_358 : i32 to index
          %parallel_loop3A_369 = arith.constant 0 : index
          %parallel_loop3A_370 = tpu.vector_load %run_scoped3A[%parallel_loop3A_368, %parallel_loop3A_369] {strides = array<i32>} : memref<128x128xf32, #tpu.memory_space<vmem>>, vector<16xf32>,
          tpu.vector_store %run_scoped3A[%parallel_loop3A_368, %parallel_loop3A_369], %parallel_loop3A_367 {strides = array<i32>} : memref<128x128xf32, #tpu.memory_space<vmem>>, vector<16xf32>,
          %parallel_loop3A_371 = arith.index_cast %parallel_loop3A_358 : i32 to index
          %parallel_loop3A_372 = arith.constant 16 : index
          %parallel_loop3A_373 = tpu.vector_load %run_scoped3A[%parallel_loop3A_371, %parallel_loop3A_372] {strides = array<i32>} : memref<128x128xf32, #tpu.memory_space<vmem>>, vector<16xf32>,
          %parallel_loop3A_374 = vector.broadcast %parallel_loop3A_362 : f32 to vector<16xf32>
          %parallel_loop3A_375 = arith.mulf %parallel_loop3A_373, %parallel_loop3A_374 : vector<16xf32>
          %parallel_loop3A_376 = arith.index_cast %parallel_loop3A_358 : i32 to index
          %parallel_loop3A_377 = arith.constant 16 : index
          %parallel_loop3A_378 = tpu.vector_load %run_scoped3A[%parallel_loop3A_376, %parallel_loop3A_377] {strides = array<i32>} : memref<128x128xf32, #tpu.memory_space<vmem>>, vector<16xf32>,
          tpu.vector_store %run_scoped3A[%parallel_loop3A_376, %parallel_loop3A_377], %parallel_loop3A_375 {strides = array<i32>} : memref<128x128xf32, #tpu.memory_space<vmem>>, vector<16xf32>,
          %parallel_loop3A_379 = arith.index_cast %parallel_loop3A_358 : i32 to index
          %parallel_loop3A_380 = arith.constant 32 : index
          %parallel_loop3A_381 = tpu.vector_load %run_scoped3A[%parallel_loop3A_379, %parallel_loop3A_380] {strides = array<i32>} : memref<128x128xf32, #tpu.memory_space<vmem>>, vector<16xf32>,
          %parallel_loop3A_382 = vector.broadcast %parallel_loop3A_362 : f32 to vector<16xf32>
          %parallel_loop3A_383 = arith.mulf %parallel_loop3A_381, %parallel_loop3A_382 : vector<16xf32>
          %parallel_loop3A_384 = arith.index_cast %parallel_loop3A_358 : i32 to index
          %parallel_loop3A_385 = arith.constant 32 : index
          %parallel_loop3A_386 = tpu.vector_load %run_scoped3A[%parallel_loop3A_384, %parallel_loop3A_385] {strides = array<i32>} : memref<128x128xf32, #tpu.memory_space<vmem>>, vector<16xf32>,
          tpu.vector_store %run_scoped3A[%parallel_loop3A_384, %parallel_loop3A_385], %parallel_loop3A_383 {strides = array<i32>} : memref<128x128xf32, #tpu.memory_space<vmem>>, vector<16xf32>,
          %parallel_loop3A_387 = arith.index_cast %parallel_loop3A_358 : i32 to index
          %parallel_loop3A_388 = arith.constant 48 : index
          %parallel_loop3A_389 = tpu.vector_load %run_scoped3A[%parallel_loop3A_387, %parallel_loop3A_388] {strides = array<i32>} : memref<128x128xf32, #tpu.memory_space<vmem>>, vector<16xf32>,
          %parallel_loop3A_390 = vector.broadcast %parallel_loop3A_362 : f32 to vector<16xf32>
          %parallel_loop3A_391 = arith.mulf %parallel_loop3A_389, %parallel_loop3A_390 : vector<16xf32>
          %parallel_loop3A_392 = arith.index_cast %parallel_loop3A_358 : i32 to index
          %parallel_loop3A_393 = arith.constant 48 : index
          %parallel_loop3A_394 = tpu.vector_load %run_scoped3A[%parallel_loop3A_392, %parallel_loop3A_393] {strides = array<i32>} : memref<128x128xf32, #tpu.memory_space<vmem>>, vector<16xf32>,
          tpu.vector_store %run_scoped3A[%parallel_loop3A_392, %parallel_loop3A_393], %parallel_loop3A_391 {strides = array<i32>} : memref<128x128xf32, #tpu.memory_space<vmem>>, vector<16xf32>,
          %parallel_loop3A_395 = arith.index_cast %parallel_loop3A_358 : i32 to index
          %parallel_loop3A_396 = arith.constant 64 : index
          %parallel_loop3A_397 = tpu.vector_load %run_scoped3A[%parallel_loop3A_395, %parallel_loop3A_396] {strides = array<i32>} : memref<128x128xf32, #tpu.memory_space<vmem>>, vector<16xf32>,
          %parallel_loop3A_398 = vector.broadcast %parallel_loop3A_362 : f32 to vector<16xf32>
          %parallel_loop3A_399 = arith.mulf %parallel_loop3A_397, %parallel_loop3A_398 : vector<16xf32>
          %parallel_loop3A_400 = arith.index_cast %parallel_loop3A_358 : i32 to index
          %parallel_loop3A_401 = arith.constant 64 : index
          %parallel_loop3A_402 = tpu.vector_load %run_scoped3A[%parallel_loop3A_400, %parallel_loop3A_401] {strides = array<i32>} : memref<128x128xf32, #tpu.memory_space<vmem>>, vector<16xf32>,
          tpu.vector_store %run_scoped3A[%parallel_loop3A_400, %parallel_loop3A_401], %parallel_loop3A_399 {strides = array<i32>} : memref<128x128xf32, #tpu.memory_space<vmem>>, vector<16xf32>,
          %parallel_loop3A_403 = arith.index_cast %parallel_loop3A_358 : i32 to index
          %parallel_loop3A_404 = arith.constant 80 : index
          %parallel_loop3A_405 = tpu.vector_load %run_scoped3A[%parallel_loop3A_403, %parallel_loop3A_404] {strides = array<i32>} : memref<128x128xf32, #tpu.memory_space<vmem>>, vector<16xf32>,
          %parallel_loop3A_406 = vector.broadcast %parallel_loop3A_362 : f32 to vector<16xf32>
          %parallel_loop3A_407 = arith.mulf %parallel_loop3A_405, %parallel_loop3A_406 : vector<16xf32>
          %parallel_loop3A_408 = arith.index_cast %parallel_loop3A_358 : i32 to index
          %parallel_loop3A_409 = arith.constant 80 : index
          %parallel_loop3A_410 = tpu.vector_load %run_scoped3A[%parallel_loop3A_408, %parallel_loop3A_409] {strides = array<i32>} : memref<128x128xf32, #tpu.memory_space<vmem>>, vector<16xf32>,
          tpu.vector_store %run_scoped3A[%parallel_loop3A_408, %parallel_loop3A_409], %parallel_loop3A_407 {strides = array<i32>} : memref<128x128xf32, #tpu.memory_space<vmem>>, vector<16xf32>,
          %parallel_loop3A_411 = arith.index_cast %parallel_loop3A_358 : i32 to index
          %parallel_loop3A_412 = arith.constant 96 : index
          %parallel_loop3A_413 = tpu.vector_load %run_scoped3A[%parallel_loop3A_411, %parallel_loop3A_412] {strides = array<i32>} : memref<128x128xf32, #tpu.memory_space<vmem>>, vector<16xf32>,
          %parallel_loop3A_414 = vector.broadcast %parallel_loop3A_362 : f32 to vector<16xf32>
          %parallel_loop3A_415 = arith.mulf %parallel_loop3A_413, %parallel_loop3A_414 : vector<16xf32>
          %parallel_loop3A_416 = arith.index_cast %parallel_loop3A_358 : i32 to index
          %parallel_loop3A_417 = arith.constant 96 : index
          %parallel_loop3A_418 = tpu.vector_load %run_scoped3A[%parallel_loop3A_416, %parallel_loop3A_417] {strides = array<i32>} : memref<128x128xf32, #tpu.memory_space<vmem>>, vector<16xf32>,
          tpu.vector_store %run_scoped3A[%parallel_loop3A_416, %parallel_loop3A_417], %parallel_loop3A_415 {strides = array<i32>} : memref<128x128xf32, #tpu.memory_space<vmem>>, vector<16xf32>,
          %parallel_loop3A_419 = arith.index_cast %parallel_loop3A_358 : i32 to index
          %parallel_loop3A_420 = arith.constant 112 : index
          %parallel_loop3A_421 = tpu.vector_load %run_scoped3A[%parallel_loop3A_419, %parallel_loop3A_420] {strides = array<i32>} : memref<128x128xf32, #tpu.memory_space<vmem>>, vector<16xf32>,
          %parallel_loop3A_422 = vector.broadcast %parallel_loop3A_362 : f32 to vector<16xf32>
          %parallel_loop3A_423 = arith.mulf %parallel_loop3A_421, %parallel_loop3A_422 : vector<16xf32>
          %parallel_loop3A_424 = arith.index_cast %parallel_loop3A_358 : i32 to index
          %parallel_loop3A_425 = arith.constant 112 : index
          %parallel_loop3A_426 = tpu.vector_load %run_scoped3A[%parallel_loop3A_424, %parallel_loop3A_425] {strides = array<i32>} : memref<128x128xf32, #tpu.memory_space<vmem>>, vector<16xf32>,
          tpu.vector_store %run_scoped3A[%parallel_loop3A_424, %parallel_loop3A_425], %parallel_loop3A_423 {strides = array<i32>} : memref<128x128xf32, #tpu.memory_space<vmem>>, vector<16xf32>,
        } {sc.loop_unroll_factor = 4 : i64, sc.parallel_access}
        %dma_start3A_210 = arith.constant 0 : i32
        %dma_start3A_211 = arith.constant 0 : i32
        %dma_start3A_212 = tpu.memref_slice %run_scoped3A_9[%dma_start3A_210, %dma_start3A_211] : memref<1x128xi32, #tpu.memory_space<vmem>> -> memref<1x128xi32, #tpu.memory_space<vmem>>
        %dma_start3A_213 = tpu.memref_squeeze %dma_start3A_212 : memref<1x128xi32, #tpu.memory_space<vmem>> -> memref<128xi32, #tpu.memory_space<vmem>>
        %dma_start3A_214 = arith.constant 0 : i32
        %dma_start3A_215 = arith.constant 0 : i32
        %dma_start3A_216 = tpu.memref_slice %arg10[%dma_start3A_214, %dma_start3A_215] : memref<10112x128xf32, #tpu.memory_space<vmem_shared>> -> memref<10112x128xf32, #tpu.memory_space<vmem_shared>>
        tpu.enqueue_indirect_dma source(%run_scoped3A : memref<128x128xf32, #tpu.memory_space<vmem>>) target(%dma_start3A_216 : memref<10112x128xf32, #tpu.memory_space<vmem_shared>>) offsets(%dma_start3A_213 : memref<128xi32, #tpu.memory_space<vmem>>) semaphore(%arg13 : memref<!tpu.dma_semaphore, #tpu.memory_space<semaphore_mem>>) {add = true}
        %rem3A_217 = arith.constant 16 : i32
        %rem3A_218 = arith.remsi %add3A_73, %rem3A_217 : i32
        %get3A_219 = arith.index_cast %rem3A_218 : i32 to index
        %get3A_220 = arith.constant 0 : index
        %get3A_221 = tpu.vector_load %run_scoped3A_7[%get3A_219, %get3A_220] {strides = array<i32>} : memref<16x128xi32, #tpu.memory_space<vmem>>, vector<16xi32>,
        %swap3A_222 = arith.constant 0 : i32
        %swap3A_223 = arith.index_cast %swap3A_222 : i32 to index
        %swap3A_224 = arith.constant 0 : index
        %swap3A_225 = tpu.vector_load %run_scoped3A_10[%swap3A_223, %swap3A_224] {strides = array<i32>} : memref<1x128xi32, #tpu.memory_space<vmem>>, vector<16xi32>,
        tpu.vector_store %run_scoped3A_10[%swap3A_223, %swap3A_224], %get3A_221 {strides = array<i32>} : memref<1x128xi32, #tpu.memory_space<vmem>>, vector<16xi32>,
        %mul3A_226 = arith.constant 128 : i32
        %mul3A_227 = arith.muli %rem3A_218, %mul3A_226 : i32
        %add3A_228 = arith.constant 0 : i32
        %add3A_229 = arith.addi %mul3A_227, %add3A_228 : i32
        %get3A_230 = arith.index_cast %add3A_229 : i32 to index
        %get3A_231 = tpu.vector_load %run_scoped3A_8[%get3A_230] {strides = array<i32>} : memref<2064xf32, #tpu.memory_space<vmem>>, vector<16xf32>,
        %swap3A_232 = arith.constant 0 : index
        %swap3A_233 = tpu.vector_load %run_scoped3A_11[%swap3A_232] {strides = array<i32>} : memref<144xf32, #tpu.memory_space<vmem>>, vector<16xf32>,
        tpu.vector_store %run_scoped3A_11[%swap3A_232], %get3A_231 {strides = array<i32>} : memref<144xf32, #tpu.memory_space<vmem>>, vector<16xf32>,
        %get3A_234 = arith.index_cast %rem3A_218 : i32 to index
        %get3A_235 = arith.constant 16 : index
        %get3A_236 = tpu.vector_load %run_scoped3A_7[%get3A_234, %get3A_235] {strides = array<i32>} : memref<16x128xi32, #tpu.memory_space<vmem>>, vector<16xi32>,
        %swap3A_237 = arith.constant 0 : i32
        %swap3A_238 = arith.index_cast %swap3A_237 : i32 to index
        %swap3A_239 = arith.constant 16 : index
        %swap3A_240 = tpu.vector_load %run_scoped3A_10[%swap3A_238, %swap3A_239] {strides = array<i32>} : memref<1x128xi32, #tpu.memory_space<vmem>>, vector<16xi32>,
        tpu.vector_store %run_scoped3A_10[%swap3A_238, %swap3A_239], %get3A_236 {strides = array<i32>} : memref<1x128xi32, #tpu.memory_space<vmem>>, vector<16xi32>,
        %mul3A_241 = arith.constant 128 : i32
        %mul3A_242 = arith.muli %rem3A_218, %mul3A_241 : i32
        %add3A_243 = arith.constant 16 : i32
        %add3A_244 = arith.addi %mul3A_242, %add3A_243 : i32
        %get3A_245 = arith.index_cast %add3A_244 : i32 to index
        %get3A_246 = tpu.vector_load %run_scoped3A_8[%get3A_245] {strides = array<i32>} : memref<2064xf32, #tpu.memory_space<vmem>>, vector<16xf32>,
        %swap3A_247 = arith.constant 16 : index
        %swap3A_248 = tpu.vector_load %run_scoped3A_11[%swap3A_247] {strides = array<i32>} : memref<144xf32, #tpu.memory_space<vmem>>, vector<16xf32>,
        tpu.vector_store %run_scoped3A_11[%swap3A_247], %get3A_246 {strides = array<i32>} : memref<144xf32, #tpu.memory_space<vmem>>, vector<16xf32>,
        %get3A_249 = arith.index_cast %rem3A_218 : i32 to index
        %get3A_250 = arith.constant 32 : index
        %get3A_251 = tpu.vector_load %run_scoped3A_7[%get3A_249, %get3A_250] {strides = array<i32>} : memref<16x128xi32, #tpu.memory_space<vmem>>, vector<16xi32>,
        %swap3A_252 = arith.constant 0 : i32
        %swap3A_253 = arith.index_cast %swap3A_252 : i32 to index
        %swap3A_254 = arith.constant 32 : index
        %swap3A_255 = tpu.vector_load %run_scoped3A_10[%swap3A_253, %swap3A_254] {strides = array<i32>} : memref<1x128xi32, #tpu.memory_space<vmem>>, vector<16xi32>,
        tpu.vector_store %run_scoped3A_10[%swap3A_253, %swap3A_254], %get3A_251 {strides = array<i32>} : memref<1x128xi32, #tpu.memory_space<vmem>>, vector<16xi32>,
        %mul3A_256 = arith.constant 128 : i32
        %mul3A_257 = arith.muli %rem3A_218, %mul3A_256 : i32
        %add3A_258 = arith.constant 32 : i32
        %add3A_259 = arith.addi %mul3A_257, %add3A_258 : i32
        %get3A_260 = arith.index_cast %add3A_259 : i32 to index
        %get3A_261 = tpu.vector_load %run_scoped3A_8[%get3A_260] {strides = array<i32>} : memref<2064xf32, #tpu.memory_space<vmem>>, vector<16xf32>,
        %swap3A_262 = arith.constant 32 : index
        %swap3A_263 = tpu.vector_load %run_scoped3A_11[%swap3A_262] {strides = array<i32>} : memref<144xf32, #tpu.memory_space<vmem>>, vector<16xf32>,
        tpu.vector_store %run_scoped3A_11[%swap3A_262], %get3A_261 {strides = array<i32>} : memref<144xf32, #tpu.memory_space<vmem>>, vector<16xf32>,
        %get3A_264 = arith.index_cast %rem3A_218 : i32 to index
        %get3A_265 = arith.constant 48 : index
        %get3A_266 = tpu.vector_load %run_scoped3A_7[%get3A_264, %get3A_265] {strides = array<i32>} : memref<16x128xi32, #tpu.memory_space<vmem>>, vector<16xi32>,
        %swap3A_267 = arith.constant 0 : i32
        %swap3A_268 = arith.index_cast %swap3A_267 : i32 to index
        %swap3A_269 = arith.constant 48 : index
        %swap3A_270 = tpu.vector_load %run_scoped3A_10[%swap3A_268, %swap3A_269] {strides = array<i32>} : memref<1x128xi32, #tpu.memory_space<vmem>>, vector<16xi32>,
        tpu.vector_store %run_scoped3A_10[%swap3A_268, %swap3A_269], %get3A_266 {strides = array<i32>} : memref<1x128xi32, #tpu.memory_space<vmem>>, vector<16xi32>,
        %mul3A_271 = arith.constant 128 : i32
        %mul3A_272 = arith.muli %rem3A_218, %mul3A_271 : i32
        %add3A_273 = arith.constant 48 : i32
        %add3A_274 = arith.addi %mul3A_272, %add3A_273 : i32
        %get3A_275 = arith.index_cast %add3A_274 : i32 to index
        %get3A_276 = tpu.vector_load %run_scoped3A_8[%get3A_275] {strides = array<i32>} : memref<2064xf32, #tpu.memory_space<vmem>>, vector<16xf32>,
        %swap3A_277 = arith.constant 48 : index
        %swap3A_278 = tpu.vector_load %run_scoped3A_11[%swap3A_277] {strides = array<i32>} : memref<144xf32, #tpu.memory_space<vmem>>, vector<16xf32>,
        tpu.vector_store %run_scoped3A_11[%swap3A_277], %get3A_276 {strides = array<i32>} : memref<144xf32, #tpu.memory_space<vmem>>, vector<16xf32>,
        %get3A_279 = arith.index_cast %rem3A_218 : i32 to index
        %get3A_280 = arith.constant 64 : index
        %get3A_281 = tpu.vector_load %run_scoped3A_7[%get3A_279, %get3A_280] {strides = array<i32>} : memref<16x128xi32, #tpu.memory_space<vmem>>, vector<16xi32>,
        %swap3A_282 = arith.constant 0 : i32
        %swap3A_283 = arith.index_cast %swap3A_282 : i32 to index
        %swap3A_284 = arith.constant 64 : index
        %swap3A_285 = tpu.vector_load %run_scoped3A_10[%swap3A_283, %swap3A_284] {strides = array<i32>} : memref<1x128xi32, #tpu.memory_space<vmem>>, vector<16xi32>,
        tpu.vector_store %run_scoped3A_10[%swap3A_283, %swap3A_284], %get3A_281 {strides = array<i32>} : memref<1x128xi32, #tpu.memory_space<vmem>>, vector<16xi32>,
        %mul3A_286 = arith.constant 128 : i32
        %mul3A_287 = arith.muli %rem3A_218, %mul3A_286 : i32
        %add3A_288 = arith.constant 64 : i32
        %add3A_289 = arith.addi %mul3A_287, %add3A_288 : i32
        %get3A_290 = arith.index_cast %add3A_289 : i32 to index
        %get3A_291 = tpu.vector_load %run_scoped3A_8[%get3A_290] {strides = array<i32>} : memref<2064xf32, #tpu.memory_space<vmem>>, vector<16xf32>,
        %swap3A_292 = arith.constant 64 : index
        %swap3A_293 = tpu.vector_load %run_scoped3A_11[%swap3A_292] {strides = array<i32>} : memref<144xf32, #tpu.memory_space<vmem>>, vector<16xf32>,
        tpu.vector_store %run_scoped3A_11[%swap3A_292], %get3A_291 {strides = array<i32>} : memref<144xf32, #tpu.memory_space<vmem>>, vector<16xf32>,
        %get3A_294 = arith.index_cast %rem3A_218 : i32 to index
        %get3A_295 = arith.constant 80 : index
        %get3A_296 = tpu.vector_load %run_scoped3A_7[%get3A_294, %get3A_295] {strides = array<i32>} : memref<16x128xi32, #tpu.memory_space<vmem>>, vector<16xi32>,
        %swap3A_297 = arith.constant 0 : i32
        %swap3A_298 = arith.index_cast %swap3A_297 : i32 to index
        %swap3A_299 = arith.constant 80 : index
        %swap3A_300 = tpu.vector_load %run_scoped3A_10[%swap3A_298, %swap3A_299] {strides = array<i32>} : memref<1x128xi32, #tpu.memory_space<vmem>>, vector<16xi32>,
        tpu.vector_store %run_scoped3A_10[%swap3A_298, %swap3A_299], %get3A_296 {strides = array<i32>} : memref<1x128xi32, #tpu.memory_space<vmem>>, vector<16xi32>,
        %mul3A_301 = arith.constant 128 : i32
        %mul3A_302 = arith.muli %rem3A_218, %mul3A_301 : i32
        %add3A_303 = arith.constant 80 : i32
        %add3A_304 = arith.addi %mul3A_302, %add3A_303 : i32
        %get3A_305 = arith.index_cast %add3A_304 : i32 to index
        %get3A_306 = tpu.vector_load %run_scoped3A_8[%get3A_305] {strides = array<i32>} : memref<2064xf32, #tpu.memory_space<vmem>>, vector<16xf32>,
        %swap3A_307 = arith.constant 80 : index
        %swap3A_308 = tpu.vector_load %run_scoped3A_11[%swap3A_307] {strides = array<i32>} : memref<144xf32, #tpu.memory_space<vmem>>, vector<16xf32>,
        tpu.vector_store %run_scoped3A_11[%swap3A_307], %get3A_306 {strides = array<i32>} : memref<144xf32, #tpu.memory_space<vmem>>, vector<16xf32>,
        %get3A_309 = arith.index_cast %rem3A_218 : i32 to index
        %get3A_310 = arith.constant 96 : index
        %get3A_311 = tpu.vector_load %run_scoped3A_7[%get3A_309, %get3A_310] {strides = array<i32>} : memref<16x128xi32, #tpu.memory_space<vmem>>, vector<16xi32>,
        %swap3A_312 = arith.constant 0 : i32
        %swap3A_313 = arith.index_cast %swap3A_312 : i32 to index
        %swap3A_314 = arith.constant 96 : index
        %swap3A_315 = tpu.vector_load %run_scoped3A_10[%swap3A_313, %swap3A_314] {strides = array<i32>} : memref<1x128xi32, #tpu.memory_space<vmem>>, vector<16xi32>,
        tpu.vector_store %run_scoped3A_10[%swap3A_313, %swap3A_314], %get3A_311 {strides = array<i32>} : memref<1x128xi32, #tpu.memory_space<vmem>>, vector<16xi32>,
        %mul3A_316 = arith.constant 128 : i32
        %mul3A_317 = arith.muli %rem3A_218, %mul3A_316 : i32
        %add3A_318 = arith.constant 96 : i32
        %add3A_319 = arith.addi %mul3A_317, %add3A_318 : i32
        %get3A_320 = arith.index_cast %add3A_319 : i32 to index
        %get3A_321 = tpu.vector_load %run_scoped3A_8[%get3A_320] {strides = array<i32>} : memref<2064xf32, #tpu.memory_space<vmem>>, vector<16xf32>,
        %swap3A_322 = arith.constant 96 : index
        %swap3A_323 = tpu.vector_load %run_scoped3A_11[%swap3A_322] {strides = array<i32>} : memref<144xf32, #tpu.memory_space<vmem>>, vector<16xf32>,
        tpu.vector_store %run_scoped3A_11[%swap3A_322], %get3A_321 {strides = array<i32>} : memref<144xf32, #tpu.memory_space<vmem>>, vector<16xf32>,
        %get3A_324 = arith.index_cast %rem3A_218 : i32 to index
        %get3A_325 = arith.constant 112 : index
        %get3A_326 = tpu.vector_load %run_scoped3A_7[%get3A_324, %get3A_325] {strides = array<i32>} : memref<16x128xi32, #tpu.memory_space<vmem>>, vector<16xi32>,
        %swap3A_327 = arith.constant 0 : i32
        %swap3A_328 = arith.index_cast %swap3A_327 : i32 to index
        %swap3A_329 = arith.constant 112 : index
        %swap3A_330 = tpu.vector_load %run_scoped3A_10[%swap3A_328, %swap3A_329] {strides = array<i32>} : memref<1x128xi32, #tpu.memory_space<vmem>>, vector<16xi32>,
        tpu.vector_store %run_scoped3A_10[%swap3A_328, %swap3A_329], %get3A_326 {strides = array<i32>} : memref<1x128xi32, #tpu.memory_space<vmem>>, vector<16xi32>,
        %mul3A_331 = arith.constant 128 : i32
        %mul3A_332 = arith.muli %rem3A_218, %mul3A_331 : i32
        %add3A_333 = arith.constant 112 : i32
        %add3A_334 = arith.addi %mul3A_332, %add3A_333 : i32
        %get3A_335 = arith.index_cast %add3A_334 : i32 to index
        %get3A_336 = tpu.vector_load %run_scoped3A_8[%get3A_335] {strides = array<i32>} : memref<2064xf32, #tpu.memory_space<vmem>>, vector<16xf32>,
        %swap3A_337 = arith.constant 112 : index
        %swap3A_338 = tpu.vector_load %run_scoped3A_11[%swap3A_337] {strides = array<i32>} : memref<144xf32, #tpu.memory_space<vmem>>, vector<16xf32>,
        tpu.vector_store %run_scoped3A_11[%swap3A_337], %get3A_336 {strides = array<i32>} : memref<144xf32, #tpu.memory_space<vmem>>, vector<16xf32>,
        %lt3A = arith.constant 39 : i32
        %lt3A_339 = arith.cmpi slt, %scan3A_69, %lt3A : i32
        %convert_element_type3A_340 = arith.extui %lt3A_339 : i1 to i32
        %cond3A_341 = arith.constant 0 : i32
        %cond3A_342 = arith.cmpi ne, %convert_element_type3A_340, %cond3A_341 : i32
        scf.if %cond3A_342 {
          %add3A_358 = arith.constant 1 : i32
          %add3A_359 = arith.addi %add3A_73, %add3A_358 : i32
          %rem3A_360 = arith.constant 16 : i32
          %rem3A_361 = arith.remsi %add3A_359, %rem3A_360 : i32
          %eq3A = arith.constant 0 : i32
          %eq3A_362 = arith.cmpi eq, %rem3A_361, %eq3A : i32
          %convert_element_type3A_363 = arith.extui %eq3A_362 : i1 to i32
          %cond3A_364 = arith.constant 0 : i32
          %cond3A_365 = arith.cmpi ne, %convert_element_type3A_363, %cond3A_364 : i32
          scf.if %cond3A_365 {
            %add3A_383 = arith.constant 1 : i32
            %add3A_384 = arith.addi %add3A_73, %add3A_383 : i32
            %jit3A = arith.constant 16 : i32
            %div3A = arith.divsi %add3A_384, %jit3A : i32
            %sign3A = arith.constant 0 : i32
            %sign3A_385 = arith.cmpi sgt, %add3A_384, %sign3A : i32
            %sign3A_386 = arith.extui %sign3A_385 : i1 to i32
            %sign3A_387 = arith.constant 0 : i32
            %sign3A_388 = arith.cmpi slt, %add3A_384, %sign3A_387 : i32
            %sign3A_389 = arith.extui %sign3A_388 : i1 to i32
            %sign3A_390 = arith.subi %sign3A_386, %sign3A_389 : i32
            %sign3A_391 = arith.constant 0 : i32
            %sign3A_392 = arith.cmpi sgt, %jit3A, %sign3A_391 : i32
            %sign3A_393 = arith.extui %sign3A_392 : i1 to i32
            %sign3A_394 = arith.constant 0 : i32
            %sign3A_395 = arith.cmpi slt, %jit3A, %sign3A_394 : i32
            %sign3A_396 = arith.extui %sign3A_395 : i1 to i32
            %sign3A_397 = arith.subi %sign3A_393, %sign3A_396 : i32
            %ne3A = arith.cmpi ne, %sign3A_390, %sign3A_397 : i32
            %rem3A_398 = arith.remsi %add3A_384, %jit3A : i32
            %ne3A_399 = arith.constant 0 : i32
            %ne3A_400 = arith.cmpi ne, %rem3A_398, %ne3A_399 : i32
            %and3A = arith.andi %ne3A, %ne3A_400 : i1
            %sub3A = arith.constant 1 : i32
            %sub3A_401 = arith.subi %div3A, %sub3A : i32
            %select_n3A = arith.select %and3A, %sub3A_401, %div3A : i32
            %mul3A_402 = arith.constant 2048 : i32
            %mul3A_403 = arith.muli %select_n3A, %mul3A_402 : i32
            %add3A_404 = arith.addi %mul3A_2, %mul3A_403 : i32
            "tpu.region"() ({
              %run_scoped3A_411 = tpu.sem_alloc : memref<!tpu.dma_semaphore, #tpu.memory_space<semaphore_mem>>
              %dma_start3A_412 = tpu.memref_slice %arg2[%add3A_404] : memref<327680xi32, #tpu.memory_space<hbm>> -> memref<2048xi32, #tpu.memory_space<hbm>>
              %dma_start3A_413 = tpu.memref_slice %arg2[%add3A_404] : memref<327680xi32, #tpu.memory_space<hbm>> -> memref<2048xi32, #tpu.memory_space<hbm>>
              tpu.enqueue_dma source(%dma_start3A_413 : memref<2048xi32, #tpu.memory_space<hbm>>) target(%run_scoped3A_6 : memref<2048xi32, #tpu.memory_space<vmem>>) target_semaphore(%run_scoped3A_411 : memref<!tpu.dma_semaphore, #tpu.memory_space<semaphore_mem>>)
              %dma_wait3A_414 = tpu.memref_slice %arg2[%add3A_404] : memref<327680xi32, #tpu.memory_space<hbm>> -> memref<2048xi32, #tpu.memory_space<hbm>>
              %dma_wait3A_415 = tpu.memref_slice %arg2[%add3A_404] : memref<327680xi32, #tpu.memory_space<hbm>> -> memref<2048xi32, #tpu.memory_space<hbm>>
              tpu.wait_dma2 semaphore(%run_scoped3A_411 : memref<!tpu.dma_semaphore, #tpu.memory_space<semaphore_mem>>) src(%dma_wait3A_415 : memref<2048xi32, #tpu.memory_space<hbm>>) dst(%run_scoped3A_6 : memref<2048xi32, #tpu.memory_space<vmem>>)
              tpu.yield
            }) : () -> ()
            %mul3A_405 = arith.constant 16 : i32
            %mul3A_406 = arith.muli %select_n3A, %mul3A_405 : i32
            %add3A_407 = arith.addi %mul3A_4, %mul3A_406 : i32
            "tpu.region"() ({
              %run_scoped3A_411 = tpu.sem_alloc : memref<!tpu.dma_semaphore, #tpu.memory_space<semaphore_mem>>
              %dma_start3A_412 = arith.constant 0 : i32
              %dma_start3A_413 = tpu.memref_slice %arg3[%add3A_407, %dma_start3A_412] : memref<2560x128xi32, #tpu.memory_space<hbm>> -> memref<16x128xi32, #tpu.memory_space<hbm>>
              %dma_start3A_414 = arith.constant 0 : i32
              %dma_start3A_415 = tpu.memref_slice %arg3[%add3A_407, %dma_start3A_414] : memref<2560x128xi32, #tpu.memory_space<hbm>> -> memref<16x128xi32, #tpu.memory_space<hbm>>
              tpu.enqueue_dma source(%dma_start3A_415 : memref<16x128xi32, #tpu.memory_space<hbm>>) target(%run_scoped3A_7 : memref<16x128xi32, #tpu.memory_space<vmem>>) target_semaphore(%run_scoped3A_411 : memref<!tpu.dma_semaphore, #tpu.memory_space<semaphore_mem>>)
              %dma_wait3A_416 = arith.constant 0 : i32
              %dma_wait3A_417 = tpu.memref_slice %arg3[%add3A_407, %dma_wait3A_416] : memref<2560x128xi32, #tpu.memory_space<hbm>> -> memref<16x128xi32, #tpu.memory_space<hbm>>
              %dma_wait3A_418 = arith.constant 0 : i32
              %dma_wait3A_419 = tpu.memref_slice %arg3[%add3A_407, %dma_wait3A_418] : memref<2560x128xi32, #tpu.memory_space<hbm>> -> memref<16x128xi32, #tpu.memory_space<hbm>>
              tpu.wait_dma2 semaphore(%run_scoped3A_411 : memref<!tpu.dma_semaphore, #tpu.memory_space<semaphore_mem>>) src(%dma_wait3A_419 : memref<16x128xi32, #tpu.memory_space<hbm>>) dst(%run_scoped3A_7 : memref<16x128xi32, #tpu.memory_space<vmem>>)
              tpu.yield
            }) : () -> ()
            %mul3A_408 = arith.constant 2048 : i32
            %mul3A_409 = arith.muli %select_n3A, %mul3A_408 : i32
            %add3A_410 = arith.addi %mul3A_2, %mul3A_409 : i32
            "tpu.region"() ({
              %run_scoped3A_411 = tpu.sem_alloc : memref<!tpu.dma_semaphore, #tpu.memory_space<semaphore_mem>>
              %dma_start3A_412 = arith.constant 0 : i32
              %dma_start3A_413 = tpu.memref_slice %run_scoped3A_8[%dma_start3A_412] : memref<2064xf32, #tpu.memory_space<vmem>> -> memref<2048xf32, #tpu.memory_space<vmem>>
              %dma_start3A_414 = tpu.memref_slice %arg8[%add3A_410] : memref<327680xf32, #tpu.memory_space<hbm>> -> memref<2048xf32, #tpu.memory_space<hbm>>
              %dma_start3A_415 = arith.constant 0 : i32
              %dma_start3A_416 = tpu.memref_slice %run_scoped3A_8[%dma_start3A_415] : memref<2064xf32, #tpu.memory_space<vmem>> -> memref<2048xf32, #tpu.memory_space<vmem>>
              %dma_start3A_417 = tpu.memref_slice %arg8[%add3A_410] : memref<327680xf32, #tpu.memory_space<hbm>> -> memref<2048xf32, #tpu.memory_space<hbm>>
              tpu.enqueue_dma source(%dma_start3A_417 : memref<2048xf32, #tpu.memory_space<hbm>>) target(%dma_start3A_416 : memref<2048xf32, #tpu.memory_space<vmem>>) target_semaphore(%run_scoped3A_411 : memref<!tpu.dma_semaphore, #tpu.memory_space<semaphore_mem>>)
              %dma_wait3A_418 = arith.constant 0 : i32
              %dma_wait3A_419 = tpu.memref_slice %run_scoped3A_8[%dma_wait3A_418] : memref<2064xf32, #tpu.memory_space<vmem>> -> memref<2048xf32, #tpu.memory_space<vmem>>
              %dma_wait3A_420 = tpu.memref_slice %arg8[%add3A_410] : memref<327680xf32, #tpu.memory_space<hbm>> -> memref<2048xf32, #tpu.memory_space<hbm>>
              %dma_wait3A_421 = arith.constant 0 : i32
              %dma_wait3A_422 = tpu.memref_slice %run_scoped3A_8[%dma_wait3A_421] : memref<2064xf32, #tpu.memory_space<vmem>> -> memref<2048xf32, #tpu.memory_space<vmem>>
              %dma_wait3A_423 = tpu.memref_slice %arg8[%add3A_410] : memref<327680xf32, #tpu.memory_space<hbm>> -> memref<2048xf32, #tpu.memory_space<hbm>>
              tpu.wait_dma2 semaphore(%run_scoped3A_411 : memref<!tpu.dma_semaphore, #tpu.memory_space<semaphore_mem>>) src(%dma_wait3A_423 : memref<2048xf32, #tpu.memory_space<hbm>>) dst(%dma_wait3A_422 : memref<2048xf32, #tpu.memory_space<vmem>>)
              tpu.yield
            }) : () -> ()
          } else {
          }
          %dma_wait3A_366 = arith.constant 0 : i32
          %dma_wait3A_367 = arith.constant 0 : i32
          %dma_wait3A_368 = tpu.memref_slice %run_scoped3A_9[%dma_wait3A_366, %dma_wait3A_367] : memref<1x128xi32, #tpu.memory_space<vmem>> -> memref<1x128xi32, #tpu.memory_space<vmem>>
          %dma_wait3A_369 = tpu.memref_squeeze %dma_wait3A_368 : memref<1x128xi32, #tpu.memory_space<vmem>> -> memref<128xi32, #tpu.memory_space<vmem>>
          %dma_wait3A_370 = arith.constant 0 : i32
          %dma_wait3A_371 = arith.constant 0 : i32
          %dma_wait3A_372 = tpu.memref_slice %arg10[%dma_wait3A_370, %dma_wait3A_371] : memref<10112x128xf32, #tpu.memory_space<vmem_shared>> -> memref<10112x128xf32, #tpu.memory_space<vmem_shared>>
          tpu.wait_indirect_dma semaphore(%arg13 : memref<!tpu.dma_semaphore, #tpu.memory_space<semaphore_mem>>) src(%run_scoped3A : memref<128x128xf32, #tpu.memory_space<vmem>>) dst(%dma_wait3A_372 : memref<10112x128xf32, #tpu.memory_space<vmem_shared>>)
          %add3A_373 = arith.constant 1 : i32
          %add3A_374 = arith.addi %add3A_73, %add3A_373 : i32
          %rem3A_375 = arith.constant 16 : i32
          %rem3A_376 = arith.remsi %add3A_374, %rem3A_375 : i32
          %mul3A_377 = arith.constant 128 : i32
          %mul3A_378 = arith.muli %rem3A_376, %mul3A_377 : i32
          %dma_start3A_379 = tpu.memref_slice %run_scoped3A_6[%mul3A_378] : memref<2048xi32, #tpu.memory_space<vmem>> -> memref<128xi32, #tpu.memory_space<vmem>>
          %dma_start3A_380 = arith.constant 0 : i32
          %dma_start3A_381 = arith.constant 0 : i32
          %dma_start3A_382 = tpu.memref_slice %arg6[%dma_start3A_380, %dma_start3A_381] : memref<10240x128xf32, #tpu.memory_space<hbm>> -> memref<10240x128xf32, #tpu.memory_space<hbm>>
          tpu.enqueue_indirect_dma source(%dma_start3A_382 : memref<10240x128xf32, #tpu.memory_space<hbm>>) target(%run_scoped3A : memref<128x128xf32, #tpu.memory_space<vmem>>) offsets(%dma_start3A_379 : memref<128xi32, #tpu.memory_space<vmem>>) semaphore(%arg11 : memref<!tpu.dma_semaphore, #tpu.memory_space<semaphore_mem>>)
        } else {
        }
        %dma_wait3A_343 = arith.constant 0 : i32
        %dma_wait3A_344 = tpu.memref_slice %run_scoped3A_6[%dma_wait3A_343] : memref<2048xi32, #tpu.memory_space<vmem>> -> memref<128xi32, #tpu.memory_space<vmem>>
        %dma_wait3A_345 = arith.constant 0 : i32
        %dma_wait3A_346 = arith.constant 0 : i32
        %dma_wait3A_347 = tpu.memref_slice %arg6[%dma_wait3A_345, %dma_wait3A_346] : memref<10240x128xf32, #tpu.memory_space<hbm>> -> memref<10240x128xf32, #tpu.memory_space<hbm>>
        tpu.wait_indirect_dma semaphore(%arg12 : memref<!tpu.dma_semaphore, #tpu.memory_space<semaphore_mem>>) src(%dma_wait3A_347 : memref<10240x128xf32, #tpu.memory_space<hbm>>) dst(%run_scoped3A_5 : memref<128x128xf32, #tpu.memory_space<vmem>>)
        %parallel_loop3A_348 = arith.constant 0 : i32
        %parallel_loop3A_349 = arith.constant 128 : i32
        %parallel_loop3A_350 = arith.constant 1 : i32
        scf.for %parallel_loop3A_358 = %parallel_loop3A_348 to %parallel_loop3A_349 step %parallel_loop3A_350  : i32 {
          %parallel_loop3A_359 = arith.index_cast %parallel_loop3A_358 : i32 to index
          %parallel_loop3A_360 = tpu.vector_load %run_scoped3A_11[%parallel_loop3A_359] {strides = array<i32>} : memref<144xf32, #tpu.memory_space<vmem>>, vector<16xf32>,
          %parallel_loop3A_361 = vector.extract_strided_slice %parallel_loop3A_360 {offsets = [0], sizes = [1], strides = [1]} : vector<16xf32> to vector<1xf32>
          %parallel_loop3A_362 = vector.extract %parallel_loop3A_361[0] : f32 from vector<1xf32>
          %parallel_loop3A_363 = arith.index_cast %parallel_loop3A_358 : i32 to index
          %parallel_loop3A_364 = arith.constant 0 : index
          %parallel_loop3A_365 = tpu.vector_load %run_scoped3A_5[%parallel_loop3A_363, %parallel_loop3A_364] {strides = array<i32>} : memref<128x128xf32, #tpu.memory_space<vmem>>, vector<16xf32>,
          %parallel_loop3A_366 = vector.broadcast %parallel_loop3A_362 : f32 to vector<16xf32>
          %parallel_loop3A_367 = arith.mulf %parallel_loop3A_365, %parallel_loop3A_366 : vector<16xf32>
          %parallel_loop3A_368 = arith.index_cast %parallel_loop3A_358 : i32 to index
          %parallel_loop3A_369 = arith.constant 0 : index
          %parallel_loop3A_370 = tpu.vector_load %run_scoped3A_5[%parallel_loop3A_368, %parallel_loop3A_369] {strides = array<i32>} : memref<128x128xf32, #tpu.memory_space<vmem>>, vector<16xf32>,
          tpu.vector_store %run_scoped3A_5[%parallel_loop3A_368, %parallel_loop3A_369], %parallel_loop3A_367 {strides = array<i32>} : memref<128x128xf32, #tpu.memory_space<vmem>>, vector<16xf32>,
          %parallel_loop3A_371 = arith.index_cast %parallel_loop3A_358 : i32 to index
          %parallel_loop3A_372 = arith.constant 16 : index
          %parallel_loop3A_373 = tpu.vector_load %run_scoped3A_5[%parallel_loop3A_371, %parallel_loop3A_372] {strides = array<i32>} : memref<128x128xf32, #tpu.memory_space<vmem>>, vector<16xf32>,
          %parallel_loop3A_374 = vector.broadcast %parallel_loop3A_362 : f32 to vector<16xf32>
          %parallel_loop3A_375 = arith.mulf %parallel_loop3A_373, %parallel_loop3A_374 : vector<16xf32>
          %parallel_loop3A_376 = arith.index_cast %parallel_loop3A_358 : i32 to index
          %parallel_loop3A_377 = arith.constant 16 : index
          %parallel_loop3A_378 = tpu.vector_load %run_scoped3A_5[%parallel_loop3A_376, %parallel_loop3A_377] {strides = array<i32>} : memref<128x128xf32, #tpu.memory_space<vmem>>, vector<16xf32>,
          tpu.vector_store %run_scoped3A_5[%parallel_loop3A_376, %parallel_loop3A_377], %parallel_loop3A_375 {strides = array<i32>} : memref<128x128xf32, #tpu.memory_space<vmem>>, vector<16xf32>,
          %parallel_loop3A_379 = arith.index_cast %parallel_loop3A_358 : i32 to index
          %parallel_loop3A_380 = arith.constant 32 : index
          %parallel_loop3A_381 = tpu.vector_load %run_scoped3A_5[%parallel_loop3A_379, %parallel_loop3A_380] {strides = array<i32>} : memref<128x128xf32, #tpu.memory_space<vmem>>, vector<16xf32>,
          %parallel_loop3A_382 = vector.broadcast %parallel_loop3A_362 : f32 to vector<16xf32>
          %parallel_loop3A_383 = arith.mulf %parallel_loop3A_381, %parallel_loop3A_382 : vector<16xf32>
          %parallel_loop3A_384 = arith.index_cast %parallel_loop3A_358 : i32 to index
          %parallel_loop3A_385 = arith.constant 32 : index
          %parallel_loop3A_386 = tpu.vector_load %run_scoped3A_5[%parallel_loop3A_384, %parallel_loop3A_385] {strides = array<i32>} : memref<128x128xf32, #tpu.memory_space<vmem>>, vector<16xf32>,
          tpu.vector_store %run_scoped3A_5[%parallel_loop3A_384, %parallel_loop3A_385], %parallel_loop3A_383 {strides = array<i32>} : memref<128x128xf32, #tpu.memory_space<vmem>>, vector<16xf32>,
          %parallel_loop3A_387 = arith.index_cast %parallel_loop3A_358 : i32 to index
          %parallel_loop3A_388 = arith.constant 48 : index
          %parallel_loop3A_389 = tpu.vector_load %run_scoped3A_5[%parallel_loop3A_387, %parallel_loop3A_388] {strides = array<i32>} : memref<128x128xf32, #tpu.memory_space<vmem>>, vector<16xf32>,
          %parallel_loop3A_390 = vector.broadcast %parallel_loop3A_362 : f32 to vector<16xf32>
          %parallel_loop3A_391 = arith.mulf %parallel_loop3A_389, %parallel_loop3A_390 : vector<16xf32>
          %parallel_loop3A_392 = arith.index_cast %parallel_loop3A_358 : i32 to index
          %parallel_loop3A_393 = arith.constant 48 : index
          %parallel_loop3A_394 = tpu.vector_load %run_scoped3A_5[%parallel_loop3A_392, %parallel_loop3A_393] {strides = array<i32>} : memref<128x128xf32, #tpu.memory_space<vmem>>, vector<16xf32>,
          tpu.vector_store %run_scoped3A_5[%parallel_loop3A_392, %parallel_loop3A_393], %parallel_loop3A_391 {strides = array<i32>} : memref<128x128xf32, #tpu.memory_space<vmem>>, vector<16xf32>,
          %parallel_loop3A_395 = arith.index_cast %parallel_loop3A_358 : i32 to index
          %parallel_loop3A_396 = arith.constant 64 : index
          %parallel_loop3A_397 = tpu.vector_load %run_scoped3A_5[%parallel_loop3A_395, %parallel_loop3A_396] {strides = array<i32>} : memref<128x128xf32, #tpu.memory_space<vmem>>, vector<16xf32>,
          %parallel_loop3A_398 = vector.broadcast %parallel_loop3A_362 : f32 to vector<16xf32>
          %parallel_loop3A_399 = arith.mulf %parallel_loop3A_397, %parallel_loop3A_398 : vector<16xf32>
          %parallel_loop3A_400 = arith.index_cast %parallel_loop3A_358 : i32 to index
          %parallel_loop3A_401 = arith.constant 64 : index
          %parallel_loop3A_402 = tpu.vector_load %run_scoped3A_5[%parallel_loop3A_400, %parallel_loop3A_401] {strides = array<i32>} : memref<128x128xf32, #tpu.memory_space<vmem>>, vector<16xf32>,
          tpu.vector_store %run_scoped3A_5[%parallel_loop3A_400, %parallel_loop3A_401], %parallel_loop3A_399 {strides = array<i32>} : memref<128x128xf32, #tpu.memory_space<vmem>>, vector<16xf32>,
          %parallel_loop3A_403 = arith.index_cast %parallel_loop3A_358 : i32 to index
          %parallel_loop3A_404 = arith.constant 80 : index
          %parallel_loop3A_405 = tpu.vector_load %run_scoped3A_5[%parallel_loop3A_403, %parallel_loop3A_404] {strides = array<i32>} : memref<128x128xf32, #tpu.memory_space<vmem>>, vector<16xf32>,
          %parallel_loop3A_406 = vector.broadcast %parallel_loop3A_362 : f32 to vector<16xf32>
          %parallel_loop3A_407 = arith.mulf %parallel_loop3A_405, %parallel_loop3A_406 : vector<16xf32>
          %parallel_loop3A_408 = arith.index_cast %parallel_loop3A_358 : i32 to index
          %parallel_loop3A_409 = arith.constant 80 : index
          %parallel_loop3A_410 = tpu.vector_load %run_scoped3A_5[%parallel_loop3A_408, %parallel_loop3A_409] {strides = array<i32>} : memref<128x128xf32, #tpu.memory_space<vmem>>, vector<16xf32>,
          tpu.vector_store %run_scoped3A_5[%parallel_loop3A_408, %parallel_loop3A_409], %parallel_loop3A_407 {strides = array<i32>} : memref<128x128xf32, #tpu.memory_space<vmem>>, vector<16xf32>,
          %parallel_loop3A_411 = arith.index_cast %parallel_loop3A_358 : i32 to index
          %parallel_loop3A_412 = arith.constant 96 : index
          %parallel_loop3A_413 = tpu.vector_load %run_scoped3A_5[%parallel_loop3A_411, %parallel_loop3A_412] {strides = array<i32>} : memref<128x128xf32, #tpu.memory_space<vmem>>, vector<16xf32>,
          %parallel_loop3A_414 = vector.broadcast %parallel_loop3A_362 : f32 to vector<16xf32>
          %parallel_loop3A_415 = arith.mulf %parallel_loop3A_413, %parallel_loop3A_414 : vector<16xf32>
          %parallel_loop3A_416 = arith.index_cast %parallel_loop3A_358 : i32 to index
          %parallel_loop3A_417 = arith.constant 96 : index
          %parallel_loop3A_418 = tpu.vector_load %run_scoped3A_5[%parallel_loop3A_416, %parallel_loop3A_417] {strides = array<i32>} : memref<128x128xf32, #tpu.memory_space<vmem>>, vector<16xf32>,
          tpu.vector_store %run_scoped3A_5[%parallel_loop3A_416, %parallel_loop3A_417], %parallel_loop3A_415 {strides = array<i32>} : memref<128x128xf32, #tpu.memory_space<vmem>>, vector<16xf32>,
          %parallel_loop3A_419 = arith.index_cast %parallel_loop3A_358 : i32 to index
          %parallel_loop3A_420 = arith.constant 112 : index
          %parallel_loop3A_421 = tpu.vector_load %run_scoped3A_5[%parallel_loop3A_419, %parallel_loop3A_420] {strides = array<i32>} : memref<128x128xf32, #tpu.memory_space<vmem>>, vector<16xf32>,
          %parallel_loop3A_422 = vector.broadcast %parallel_loop3A_362 : f32 to vector<16xf32>
          %parallel_loop3A_423 = arith.mulf %parallel_loop3A_421, %parallel_loop3A_422 : vector<16xf32>
          %parallel_loop3A_424 = arith.index_cast %parallel_loop3A_358 : i32 to index
          %parallel_loop3A_425 = arith.constant 112 : index
          %parallel_loop3A_426 = tpu.vector_load %run_scoped3A_5[%parallel_loop3A_424, %parallel_loop3A_425] {strides = array<i32>} : memref<128x128xf32, #tpu.memory_space<vmem>>, vector<16xf32>,
          tpu.vector_store %run_scoped3A_5[%parallel_loop3A_424, %parallel_loop3A_425], %parallel_loop3A_423 {strides = array<i32>} : memref<128x128xf32, #tpu.memory_space<vmem>>, vector<16xf32>,
        } {sc.loop_unroll_factor = 4 : i64, sc.parallel_access}
        %dma_start3A_351 = arith.constant 0 : i32
        %dma_start3A_352 = arith.constant 0 : i32
        %dma_start3A_353 = tpu.memref_slice %run_scoped3A_10[%dma_start3A_351, %dma_start3A_352] : memref<1x128xi32, #tpu.memory_space<vmem>> -> memref<1x128xi32, #tpu.memory_space<vmem>>
        %dma_start3A_354 = tpu.memref_squeeze %dma_start3A_353 : memref<1x128xi32, #tpu.memory_space<vmem>> -> memref<128xi32, #tpu.memory_space<vmem>>
        %dma_start3A_355 = arith.constant 0 : i32
        %dma_start3A_356 = arith.constant 0 : i32
        %dma_start3A_357 = tpu.memref_slice %arg10[%dma_start3A_355, %dma_start3A_356] : memref<10112x128xf32, #tpu.memory_space<vmem_shared>> -> memref<10112x128xf32, #tpu.memory_space<vmem_shared>>
        tpu.enqueue_indirect_dma source(%run_scoped3A_5 : memref<128x128xf32, #tpu.memory_space<vmem>>) target(%dma_start3A_357 : memref<10112x128xf32, #tpu.memory_space<vmem_shared>>) offsets(%dma_start3A_354 : memref<128xi32, #tpu.memory_space<vmem>>) semaphore(%arg14 : memref<!tpu.dma_semaphore, #tpu.memory_space<semaphore_mem>>) {add = true}
      }
      %scan3A_44 = arith.constant 40 : i32
      %dma_wait3A = arith.constant 0 : i32
      %dma_wait3A_45 = arith.constant 0 : i32
      %dma_wait3A_46 = tpu.memref_slice %run_scoped3A_9[%dma_wait3A, %dma_wait3A_45] : memref<1x128xi32, #tpu.memory_space<vmem>> -> memref<1x128xi32, #tpu.memory_space<vmem>>
      %dma_wait3A_47 = tpu.memref_squeeze %dma_wait3A_46 : memref<1x128xi32, #tpu.memory_space<vmem>> -> memref<128xi32, #tpu.memory_space<vmem>>
      %dma_wait3A_48 = arith.constant 0 : i32
      %dma_wait3A_49 = arith.constant 0 : i32
      %dma_wait3A_50 = tpu.memref_slice %arg10[%dma_wait3A_48, %dma_wait3A_49] : memref<10112x128xf32, #tpu.memory_space<vmem_shared>> -> memref<10112x128xf32, #tpu.memory_space<vmem_shared>>
      tpu.wait_indirect_dma semaphore(%arg13 : memref<!tpu.dma_semaphore, #tpu.memory_space<semaphore_mem>>) src(%run_scoped3A : memref<128x128xf32, #tpu.memory_space<vmem>>) dst(%dma_wait3A_50 : memref<10112x128xf32, #tpu.memory_space<vmem_shared>>)
      %dma_wait3A_51 = arith.constant 0 : i32
      %dma_wait3A_52 = arith.constant 0 : i32
      %dma_wait3A_53 = tpu.memref_slice %run_scoped3A_10[%dma_wait3A_51, %dma_wait3A_52] : memref<1x128xi32, #tpu.memory_space<vmem>> -> memref<1x128xi32, #tpu.memory_space<vmem>>
      %dma_wait3A_54 = tpu.memref_squeeze %dma_wait3A_53 : memref<1x128xi32, #tpu.memory_space<vmem>> -> memref<128xi32, #tpu.memory_space<vmem>>
      %dma_wait3A_55 = arith.constant 0 : i32
      %dma_wait3A_56 = arith.constant 0 : i32
      %dma_wait3A_57 = tpu.memref_slice %arg10[%dma_wait3A_55, %dma_wait3A_56] : memref<10112x128xf32, #tpu.memory_space<vmem_shared>> -> memref<10112x128xf32, #tpu.memory_space<vmem_shared>>
      tpu.wait_indirect_dma semaphore(%arg14 : memref<!tpu.dma_semaphore, #tpu.memory_space<semaphore_mem>>) src(%run_scoped3A_5 : memref<128x128xf32, #tpu.memory_space<vmem>>) dst(%dma_wait3A_57 : memref<10112x128xf32, #tpu.memory_space<vmem_shared>>)
      "tpu.trace_stop"() : () -> ()
      %barrier3A_58 = arith.constant 0 : index
      tpu.barrier barrier_id(%barrier3A_58)
      %add3A_59 = arith.constant 0 : i32
      %add3A_60 = arith.addi %mul3A_13, %add3A_59 : i32
      "tpu.region"() ({
        %run_scoped3A_69 = tpu.sem_alloc : memref<!tpu.dma_semaphore, #tpu.memory_space<semaphore_mem>>
        %dma_start3A_70 = arith.constant 0 : i32
        %dma_start3A_71 = tpu.memref_slice %arg7[%arg0, %add3A_60, %dma_start3A_70] : memref<2x10112x128xf32, #tpu.memory_space<hbm>> -> memref<1x128x128xf32, #tpu.memory_space<hbm>>
        %dma_start3A_72 = tpu.memref_squeeze %dma_start3A_71 : memref<1x128x128xf32, #tpu.memory_space<hbm>> -> memref<128x128xf32, #tpu.memory_space<hbm>>
        %dma_start3A_73 = arith.constant 0 : i32
        %dma_start3A_74 = tpu.memref_slice %arg10[%add3A_60, %dma_start3A_73] : memref<10112x128xf32, #tpu.memory_space<vmem_shared>> -> memref<128x128xf32, #tpu.memory_space<vmem_shared>>
        tpu.enqueue_dma source(%dma_start3A_74 : memref<128x128xf32, #tpu.memory_space<vmem_shared>>) target(%dma_start3A_72 : memref<128x128xf32, #tpu.memory_space<hbm>>) target_semaphore(%run_scoped3A_69 : memref<!tpu.dma_semaphore, #tpu.memory_space<semaphore_mem>>)
        %dma_wait3A_75 = arith.constant 0 : i32
        %dma_wait3A_76 = tpu.memref_slice %arg7[%arg0, %add3A_60, %dma_wait3A_75] : memref<2x10112x128xf32, #tpu.memory_space<hbm>> -> memref<1x128x128xf32, #tpu.memory_space<hbm>>
        %dma_wait3A_77 = tpu.memref_squeeze %dma_wait3A_76 : memref<1x128x128xf32, #tpu.memory_space<hbm>> -> memref<128x128xf32, #tpu.memory_space<hbm>>
        %dma_wait3A_78 = arith.constant 0 : i32
        %dma_wait3A_79 = tpu.memref_slice %arg10[%add3A_60, %dma_wait3A_78] : memref<10112x128xf32, #tpu.memory_space<vmem_shared>> -> memref<128x128xf32, #tpu.memory_space<vmem_shared>>
        tpu.wait_dma2 semaphore(%run_scoped3A_69 : memref<!tpu.dma_semaphore, #tpu.memory_space<semaphore_mem>>) src(%dma_wait3A_79 : memref<128x128xf32, #tpu.memory_space<vmem_shared>>) dst(%dma_wait3A_77 : memref<128x128xf32, #tpu.memory_space<hbm>>)
        tpu.yield
      }) : () -> ()
      %add3A_61 = arith.constant 128 : i32
      %add3A_62 = arith.addi %mul3A_13, %add3A_61 : i32
      "tpu.region"() ({
        %run_scoped3A_69 = tpu.sem_alloc : memref<!tpu.dma_semaphore, #tpu.memory_space<semaphore_mem>>
        %dma_start3A_70 = arith.constant 0 : i32
        %dma_start3A_71 = tpu.memref_slice %arg7[%arg0, %add3A_62, %dma_start3A_70] : memref<2x10112x128xf32, #tpu.memory_space<hbm>> -> memref<1x128x128xf32, #tpu.memory_space<hbm>>
        %dma_start3A_72 = tpu.memref_squeeze %dma_start3A_71 : memref<1x128x128xf32, #tpu.memory_space<hbm>> -> memref<128x128xf32, #tpu.memory_space<hbm>>
        %dma_start3A_73 = arith.constant 0 : i32
        %dma_start3A_74 = tpu.memref_slice %arg10[%add3A_62, %dma_start3A_73] : memref<10112x128xf32, #tpu.memory_space<vmem_shared>> -> memref<128x128xf32, #tpu.memory_space<vmem_shared>>
        tpu.enqueue_dma source(%dma_start3A_74 : memref<128x128xf32, #tpu.memory_space<vmem_shared>>) target(%dma_start3A_72 : memref<128x128xf32, #tpu.memory_space<hbm>>) target_semaphore(%run_scoped3A_69 : memref<!tpu.dma_semaphore, #tpu.memory_space<semaphore_mem>>)
        %dma_wait3A_75 = arith.constant 0 : i32
        %dma_wait3A_76 = tpu.memref_slice %arg7[%arg0, %add3A_62, %dma_wait3A_75] : memref<2x10112x128xf32, #tpu.memory_space<hbm>> -> memref<1x128x128xf32, #tpu.memory_space<hbm>>
        %dma_wait3A_77 = tpu.memref_squeeze %dma_wait3A_76 : memref<1x128x128xf32, #tpu.memory_space<hbm>> -> memref<128x128xf32, #tpu.memory_space<hbm>>
        %dma_wait3A_78 = arith.constant 0 : i32
        %dma_wait3A_79 = tpu.memref_slice %arg10[%add3A_62, %dma_wait3A_78] : memref<10112x128xf32, #tpu.memory_space<vmem_shared>> -> memref<128x128xf32, #tpu.memory_space<vmem_shared>>
        tpu.wait_dma2 semaphore(%run_scoped3A_69 : memref<!tpu.dma_semaphore, #tpu.memory_space<semaphore_mem>>) src(%dma_wait3A_79 : memref<128x128xf32, #tpu.memory_space<vmem_shared>>) dst(%dma_wait3A_77 : memref<128x128xf32, #tpu.memory_space<hbm>>)
        tpu.yield
      }) : () -> ()
      %add3A_63 = arith.constant 256 : i32
      %add3A_64 = arith.addi %mul3A_13, %add3A_63 : i32
      "tpu.region"() ({
        %run_scoped3A_69 = tpu.sem_alloc : memref<!tpu.dma_semaphore, #tpu.memory_space<semaphore_mem>>
        %dma_start3A_70 = arith.constant 0 : i32
        %dma_start3A_71 = tpu.memref_slice %arg7[%arg0, %add3A_64, %dma_start3A_70] : memref<2x10112x128xf32, #tpu.memory_space<hbm>> -> memref<1x128x128xf32, #tpu.memory_space<hbm>>
        %dma_start3A_72 = tpu.memref_squeeze %dma_start3A_71 : memref<1x128x128xf32, #tpu.memory_space<hbm>> -> memref<128x128xf32, #tpu.memory_space<hbm>>
        %dma_start3A_73 = arith.constant 0 : i32
        %dma_start3A_74 = tpu.memref_slice %arg10[%add3A_64, %dma_start3A_73] : memref<10112x128xf32, #tpu.memory_space<vmem_shared>> -> memref<128x128xf32, #tpu.memory_space<vmem_shared>>
        tpu.enqueue_dma source(%dma_start3A_74 : memref<128x128xf32, #tpu.memory_space<vmem_shared>>) target(%dma_start3A_72 : memref<128x128xf32, #tpu.memory_space<hbm>>) target_semaphore(%run_scoped3A_69 : memref<!tpu.dma_semaphore, #tpu.memory_space<semaphore_mem>>)
        %dma_wait3A_75 = arith.constant 0 : i32
        %dma_wait3A_76 = tpu.memref_slice %arg7[%arg0, %add3A_64, %dma_wait3A_75] : memref<2x10112x128xf32, #tpu.memory_space<hbm>> -> memref<1x128x128xf32, #tpu.memory_space<hbm>>
        %dma_wait3A_77 = tpu.memref_squeeze %dma_wait3A_76 : memref<1x128x128xf32, #tpu.memory_space<hbm>> -> memref<128x128xf32, #tpu.memory_space<hbm>>
        %dma_wait3A_78 = arith.constant 0 : i32
        %dma_wait3A_79 = tpu.memref_slice %arg10[%add3A_64, %dma_wait3A_78] : memref<10112x128xf32, #tpu.memory_space<vmem_shared>> -> memref<128x128xf32, #tpu.memory_space<vmem_shared>>
        tpu.wait_dma2 semaphore(%run_scoped3A_69 : memref<!tpu.dma_semaphore, #tpu.memory_space<semaphore_mem>>) src(%dma_wait3A_79 : memref<128x128xf32, #tpu.memory_space<vmem_shared>>) dst(%dma_wait3A_77 : memref<128x128xf32, #tpu.memory_space<hbm>>)
        tpu.yield
      }) : () -> ()
      %add3A_65 = arith.constant 384 : i32
      %add3A_66 = arith.addi %mul3A_13, %add3A_65 : i32
      "tpu.region"() ({
        %run_scoped3A_69 = tpu.sem_alloc : memref<!tpu.dma_semaphore, #tpu.memory_space<semaphore_mem>>
        %dma_start3A_70 = arith.constant 0 : i32
        %dma_start3A_71 = tpu.memref_slice %arg7[%arg0, %add3A_66, %dma_start3A_70] : memref<2x10112x128xf32, #tpu.memory_space<hbm>> -> memref<1x128x128xf32, #tpu.memory_space<hbm>>
        %dma_start3A_72 = tpu.memref_squeeze %dma_start3A_71 : memref<1x128x128xf32, #tpu.memory_space<hbm>> -> memref<128x128xf32, #tpu.memory_space<hbm>>
        %dma_start3A_73 = arith.constant 0 : i32
        %dma_start3A_74 = tpu.memref_slice %arg10[%add3A_66, %dma_start3A_73] : memref<10112x128xf32, #tpu.memory_space<vmem_shared>> -> memref<128x128xf32, #tpu.memory_space<vmem_shared>>
        tpu.enqueue_dma source(%dma_start3A_74 : memref<128x128xf32, #tpu.memory_space<vmem_shared>>) target(%dma_start3A_72 : memref<128x128xf32, #tpu.memory_space<hbm>>) target_semaphore(%run_scoped3A_69 : memref<!tpu.dma_semaphore, #tpu.memory_space<semaphore_mem>>)
        %dma_wait3A_75 = arith.constant 0 : i32
        %dma_wait3A_76 = tpu.memref_slice %arg7[%arg0, %add3A_66, %dma_wait3A_75] : memref<2x10112x128xf32, #tpu.memory_space<hbm>> -> memref<1x128x128xf32, #tpu.memory_space<hbm>>
        %dma_wait3A_77 = tpu.memref_squeeze %dma_wait3A_76 : memref<1x128x128xf32, #tpu.memory_space<hbm>> -> memref<128x128xf32, #tpu.memory_space<hbm>>
        %dma_wait3A_78 = arith.constant 0 : i32
        %dma_wait3A_79 = tpu.memref_slice %arg10[%add3A_66, %dma_wait3A_78] : memref<10112x128xf32, #tpu.memory_space<vmem_shared>> -> memref<128x128xf32, #tpu.memory_space<vmem_shared>>
        tpu.wait_dma2 semaphore(%run_scoped3A_69 : memref<!tpu.dma_semaphore, #tpu.memory_space<semaphore_mem>>) src(%dma_wait3A_79 : memref<128x128xf32, #tpu.memory_space<vmem_shared>>) dst(%dma_wait3A_77 : memref<128x128xf32, #tpu.memory_space<hbm>>)
        tpu.yield
      }) : () -> ()
      %add3A_67 = arith.constant 512 : i32
      %add3A_68 = arith.addi %mul3A_13, %add3A_67 : i32
      "tpu.region"() ({
        %run_scoped3A_69 = tpu.sem_alloc : memref<!tpu.dma_semaphore, #tpu.memory_space<semaphore_mem>>
        %dma_start3A_70 = arith.constant 0 : i32
        %dma_start3A_71 = tpu.memref_slice %arg7[%arg0, %add3A_68, %dma_start3A_70] : memref<2x10112x128xf32, #tpu.memory_space<hbm>> -> memref<1x120x128xf32, #tpu.memory_space<hbm>>
        %dma_start3A_72 = tpu.memref_squeeze %dma_start3A_71 : memref<1x120x128xf32, #tpu.memory_space<hbm>> -> memref<120x128xf32, #tpu.memory_space<hbm>>
        %dma_start3A_73 = arith.constant 0 : i32
        %dma_start3A_74 = tpu.memref_slice %arg10[%add3A_68, %dma_start3A_73] : memref<10112x128xf32, #tpu.memory_space<vmem_shared>> -> memref<120x128xf32, #tpu.memory_space<vmem_shared>>
        tpu.enqueue_dma source(%dma_start3A_74 : memref<120x128xf32, #tpu.memory_space<vmem_shared>>) target(%dma_start3A_72 : memref<120x128xf32, #tpu.memory_space<hbm>>) target_semaphore(%run_scoped3A_69 : memref<!tpu.dma_semaphore, #tpu.memory_space<semaphore_mem>>)
        %dma_wait3A_75 = arith.constant 0 : i32
        %dma_wait3A_76 = tpu.memref_slice %arg7[%arg0, %add3A_68, %dma_wait3A_75] : memref<2x10112x128xf32, #tpu.memory_space<hbm>> -> memref<1x120x128xf32, #tpu.memory_space<hbm>>
        %dma_wait3A_77 = tpu.memref_squeeze %dma_wait3A_76 : memref<1x120x128xf32, #tpu.memory_space<hbm>> -> memref<120x128xf32, #tpu.memory_space<hbm>>
        %dma_wait3A_78 = arith.constant 0 : i32
        %dma_wait3A_79 = tpu.memref_slice %arg10[%add3A_68, %dma_wait3A_78] : memref<10112x128xf32, #tpu.memory_space<vmem_shared>> -> memref<120x128xf32, #tpu.memory_space<vmem_shared>>
        tpu.wait_dma2 semaphore(%run_scoped3A_69 : memref<!tpu.dma_semaphore, #tpu.memory_space<semaphore_mem>>) src(%dma_wait3A_79 : memref<120x128xf32, #tpu.memory_space<vmem_shared>>) dst(%dma_wait3A_77 : memref<120x128xf32, #tpu.memory_space<hbm>>)
        tpu.yield
      }) : () -> ()
      tpu.yield
    }) : () -> ()
    return
  }
}

module attributes {stable_mosaic.version = 14 : i64} {
  func.func @_prep_body(%arg0: i32, %arg1: memref<2048x128xf32, #tpu.memory_space<vmem>>, %arg2: memref<128x128xf32, #tpu.memory_space<vmem>>, %arg3: memref<1x128xf32, #tpu.memory_space<vmem>>, %arg4: memref<1x128xf32, #tpu.memory_space<vmem>>, %arg5: memref<2048x128xf32, #tpu.memory_space<vmem>>, %arg6: memref<2048x1xf32, #tpu.memory_space<vmem>>, %arg7: memref<2048x1xf32, #tpu.memory_space<vmem>>) attributes {dimension_semantics = [#tpu.dimension_semantics<arbitrary>], iteration_bounds = array<i64: 5>, scalar_prefetch = 0 : i64, scratch_operands = 0 : i64, tpu.core_type = #tpu.core_type<tc>, window_params = [{transform_indices = @transform_0, window_bounds = array<i64: 2048, 128>}, {pipeline_mode = #tpu.pipeline_mode<synchronous>, transform_indices = @transform_1, window_bounds = array<i64: 128, 128>}, {pipeline_mode = #tpu.pipeline_mode<synchronous>, transform_indices = @transform_2, window_bounds = array<i64: 1, 128>}, {pipeline_mode = #tpu.pipeline_mode<synchronous>, transform_indices = @transform_3, window_bounds = array<i64: 1, 128>}, {transform_indices = @transform_4, window_bounds = array<i64: 2048, 128>}, {transform_indices = @transform_5, window_bounds = array<i64: 2048, 1>}, {transform_indices = @transform_6, window_bounds = array<i64: 2048, 1>}]} {
    %get3A = arith.constant 0 : index
    %get3A_0 = arith.constant 0 : index
    %get3A_1 = vector.load %arg1[%get3A, %get3A_0] : memref<2048x128xf32, #tpu.memory_space<vmem>>, vector<2048x128xf32>
    %get3A_2 = arith.constant 0 : index
    %get3A_3 = arith.constant 0 : index
    %get3A_4 = vector.load %arg2[%get3A_2, %get3A_3] : memref<128x128xf32, #tpu.memory_space<vmem>>, vector<128x128xf32>
    %dot_general3A = arith.constant dense<0.000000e+00> : vector<2048x128xf32>
    %dot_general3A_5 = tpu.matmul %get3A_1, %get3A_4, %dot_general3A {dimension_numbers = #tpu.dot_dimension_numbers<[1], [0], [0], [1], [0, 0, 1, 1], [], []>, transpose_lhs_hint = false} : vector<2048x128xf32>, vector<128x128xf32>, vector<2048x128xf32> -> vector<2048x128xf32>
    %swap3A = arith.constant 0 : index
    %swap3A_6 = arith.constant 0 : index
    %swap3A_7 = vector.load %arg5[%swap3A, %swap3A_6] : memref<2048x128xf32, #tpu.memory_space<vmem>>, vector<2048x128xf32>
    tpu.vector_store %arg5[%swap3A, %swap3A_6], %dot_general3A_5 {strides = array<i32>} : memref<2048x128xf32, #tpu.memory_space<vmem>>, vector<2048x128xf32>,
    %get3A_8 = arith.constant 0 : index
    %get3A_9 = arith.constant 0 : index
    %get3A_10 = vector.load %arg3[%get3A_8, %get3A_9] : memref<1x128xf32, #tpu.memory_space<vmem>>, vector<1x128xf32>
    %mul3A = vector.broadcast %get3A_10 : vector<1x128xf32> to vector<2048x128xf32>
    %mul3A_11 = arith.mulf %dot_general3A_5, %mul3A : vector<2048x128xf32>
    %reduce_sum3A = arith.constant dense<0.000000e+00> : vector<2048xf32>
    %reduce_sum3A_12 = vector.multi_reduction <add>, %mul3A_11, %reduce_sum3A [1] : vector<2048x128xf32> to vector<2048xf32>
    %broadcast_in_dim3A = vector.shape_cast %reduce_sum3A_12 : vector<2048xf32> to vector<2048x1xf32>
    %swap3A_13 = arith.constant 0 : index
    %swap3A_14 = arith.constant 0 : index
    %swap3A_15 = vector.load %arg6[%swap3A_13, %swap3A_14] : memref<2048x1xf32, #tpu.memory_space<vmem>>, vector<2048x1xf32>
    tpu.vector_store %arg6[%swap3A_13, %swap3A_14], %broadcast_in_dim3A {strides = array<i32>} : memref<2048x1xf32, #tpu.memory_space<vmem>>, vector<2048x1xf32>,
    %get3A_16 = arith.constant 0 : index
    %get3A_17 = arith.constant 0 : index
    %get3A_18 = vector.load %arg4[%get3A_16, %get3A_17] : memref<1x128xf32, #tpu.memory_space<vmem>>, vector<1x128xf32>
    %mul3A_19 = vector.broadcast %get3A_18 : vector<1x128xf32> to vector<2048x128xf32>
    %mul3A_20 = arith.mulf %dot_general3A_5, %mul3A_19 : vector<2048x128xf32>
    %reduce_sum3A_21 = arith.constant dense<0.000000e+00> : vector<2048xf32>
    %reduce_sum3A_22 = vector.multi_reduction <add>, %mul3A_20, %reduce_sum3A_21 [1] : vector<2048x128xf32> to vector<2048xf32>
    %broadcast_in_dim3A_23 = vector.shape_cast %reduce_sum3A_22 : vector<2048xf32> to vector<2048x1xf32>
    %swap3A_24 = arith.constant 0 : index
    %swap3A_25 = arith.constant 0 : index
    %swap3A_26 = vector.load %arg7[%swap3A_24, %swap3A_25] : memref<2048x1xf32, #tpu.memory_space<vmem>>, vector<2048x1xf32>
    tpu.vector_store %arg7[%swap3A_24, %swap3A_25], %broadcast_in_dim3A_23 {strides = array<i32>} : memref<2048x1xf32, #tpu.memory_space<vmem>>, vector<2048x1xf32>,
    return
  }
  func.func @transform_0(%arg0: i32) -> (i32, i32) {
    %c0_i32 = arith.constant 0 : i32
    %c0_i32_0 = arith.constant 0 : i32
    return %arg0, %c0_i32 : i32, i32
  }
  func.func @transform_1(%arg0: i32) -> (i32, i32) {
    %c0_i32 = arith.constant 0 : i32
    %c0_i32_0 = arith.constant 0 : i32
    %c0_i32_1 = arith.constant 0 : i32
    return %c0_i32, %c0_i32_0 : i32, i32
  }
  func.func @transform_2(%arg0: i32) -> (i32, i32) {
    %c0_i32 = arith.constant 0 : i32
    %c0_i32_0 = arith.constant 0 : i32
    %c0_i32_1 = arith.constant 0 : i32
    return %c0_i32, %c0_i32_0 : i32, i32
  }
  func.func @transform_3(%arg0: i32) -> (i32, i32) {
    %c0_i32 = arith.constant 0 : i32
    %c0_i32_0 = arith.constant 0 : i32
    %c0_i32_1 = arith.constant 0 : i32
    return %c0_i32, %c0_i32_0 : i32, i32
  }
  func.func @transform_4(%arg0: i32) -> (i32, i32) {
    %c0_i32 = arith.constant 0 : i32
    %c0_i32_0 = arith.constant 0 : i32
    return %arg0, %c0_i32 : i32, i32
  }
  func.func @transform_5(%arg0: i32) -> (i32, i32) {
    %c0_i32 = arith.constant 0 : i32
    %c0_i32_0 = arith.constant 0 : i32
    return %arg0, %c0_i32 : i32, i32
  }
  func.func @transform_6(%arg0: i32) -> (i32, i32) {
    %c0_i32 = arith.constant 0 : i32
    %c0_i32_0 = arith.constant 0 : i32
    return %arg0, %c0_i32 : i32, i32
  }
}

module attributes {stable_mosaic.version = 14 : i64} {
  func.func @_combine_body(%arg0: i32, %arg1: memref<2x1000x128xf32, #tpu.memory_space<vmem>>, %arg2: memref<1000x32xf32, #tpu.memory_space<vmem>>, %arg3: memref<1000x128xf32, #tpu.memory_space<vmem>>, %arg4: memref<1x128xf32, #tpu.memory_space<vmem>>, %arg5: memref<1x128xf32, #tpu.memory_space<vmem>>, %arg6: memref<1x128xf32, #tpu.memory_space<vmem>>, %arg7: memref<1000x128xf32, #tpu.memory_space<vmem>>) attributes {dimension_semantics = [#tpu.dimension_semantics<arbitrary>], iteration_bounds = array<i64: 10>, scalar_prefetch = 0 : i64, scratch_operands = 0 : i64, tpu.core_type = #tpu.core_type<tc>, window_params = [{transform_indices = @transform_0, window_bounds = array<i64: 2, 1000, 128>}, {transform_indices = @transform_1, window_bounds = array<i64: 1000, 32>}, {transform_indices = @transform_2, window_bounds = array<i64: 1000, 128>}, {pipeline_mode = #tpu.pipeline_mode<synchronous>, transform_indices = @transform_3, window_bounds = array<i64: 1, 128>}, {pipeline_mode = #tpu.pipeline_mode<synchronous>, transform_indices = @transform_4, window_bounds = array<i64: 1, 128>}, {pipeline_mode = #tpu.pipeline_mode<synchronous>, transform_indices = @transform_5, window_bounds = array<i64: 1, 128>}, {transform_indices = @transform_6, window_bounds = array<i64: 1000, 128>}]} {
    %get3A = arith.constant 0 : index
    %get3A_0 = arith.constant 0 : index
    %get3A_1 = vector.load %arg3[%get3A, %get3A_0] : memref<1000x128xf32, #tpu.memory_space<vmem>>, vector<1000x128xf32>
    %get3A_2 = arith.constant 0 : index
    %get3A_3 = arith.constant 0 : index
    %get3A_4 = vector.load %arg4[%get3A_2, %get3A_3] : memref<1x128xf32, #tpu.memory_space<vmem>>, vector<1x128xf32>
    %mul3A = vector.broadcast %get3A_4 : vector<1x128xf32> to vector<1000x128xf32>
    %mul3A_5 = arith.mulf %get3A_1, %mul3A : vector<1000x128xf32>
    %reduce_sum3A = arith.constant dense<0.000000e+00> : vector<1000xf32>
    %reduce_sum3A_6 = vector.multi_reduction <add>, %mul3A_5, %reduce_sum3A [1] : vector<1000x128xf32> to vector<1000xf32>
    %broadcast_in_dim3A = vector.shape_cast %reduce_sum3A_6 : vector<1000xf32> to vector<1000x1xf32>
    %get3A_7 = arith.constant 0 : index
    %get3A_8 = arith.constant 0 : index
    %get3A_9 = vector.load %arg5[%get3A_7, %get3A_8] : memref<1x128xf32, #tpu.memory_space<vmem>>, vector<1x128xf32>
    %mul3A_10 = vector.broadcast %get3A_9 : vector<1x128xf32> to vector<1000x128xf32>
    %mul3A_11 = arith.mulf %get3A_1, %mul3A_10 : vector<1000x128xf32>
    %reduce_sum3A_12 = arith.constant dense<0.000000e+00> : vector<1000xf32>
    %reduce_sum3A_13 = vector.multi_reduction <add>, %mul3A_11, %reduce_sum3A_12 [1] : vector<1000x128xf32> to vector<1000xf32>
    %broadcast_in_dim3A_14 = vector.shape_cast %reduce_sum3A_13 : vector<1000xf32> to vector<1000x1xf32>
    %add3A = arith.addf %broadcast_in_dim3A, %broadcast_in_dim3A_14 : vector<1000x1xf32>
    %ge3A = arith.constant 0.000000e+00 : f32
    %ge3A_15 = vector.broadcast %ge3A : f32 to vector<1000x1xf32>
    %ge3A_16 = arith.cmpf oge, %add3A, %ge3A_15 : vector<1000x1xf32>
    %mul3A_17 = arith.constant 2.000000e-01 : f32
    %mul3A_18 = vector.broadcast %mul3A_17 : f32 to vector<1000x1xf32>
    %mul3A_19 = arith.mulf %add3A, %mul3A_18 : vector<1000x1xf32>
    %select_n3A = arith.select %ge3A_16, %add3A, %mul3A_19 : vector<1000x1xi1>, vector<1000x1xf32>
    %exp3A = math.exp %select_n3A : vector<1000x1xf32>
    %get3A_20 = arith.constant 0 : index
    %get3A_21 = arith.constant 0 : index
    %get3A_22 = arith.constant 0 : index
    %get3A_23 = vector.load %arg1[%get3A_20, %get3A_21, %get3A_22] : memref<2x1000x128xf32, #tpu.memory_space<vmem>>, vector<1x1000x128xf32>
    %get3A_24 = vector.shape_cast %get3A_23 : vector<1x1000x128xf32> to vector<1000x128xf32>
    %get3A_25 = arith.constant 1 : index
    %get3A_26 = arith.constant 0 : index
    %get3A_27 = arith.constant 0 : index
    %get3A_28 = vector.load %arg1[%get3A_25, %get3A_26, %get3A_27] : memref<2x1000x128xf32, #tpu.memory_space<vmem>>, vector<1x1000x128xf32>
    %get3A_29 = vector.shape_cast %get3A_28 : vector<1x1000x128xf32> to vector<1000x128xf32>
    %add3A_30 = arith.addf %get3A_24, %get3A_29 : vector<1000x128xf32>
    %mul3A_31 = vector.broadcast %exp3A : vector<1000x1xf32> to vector<1000x128xf32>
    %mul3A_32 = arith.mulf %mul3A_31, %get3A_1 : vector<1000x128xf32>
    %add3A_33 = arith.addf %add3A_30, %mul3A_32 : vector<1000x128xf32>
    %get3A_34 = arith.constant 0 : index
    %get3A_35 = arith.constant 0 : index
    %get3A_36 = vector.load %arg2[%get3A_34, %get3A_35] : memref<1000x32xf32, #tpu.memory_space<vmem>>, vector<1000x32xf32>
    %reduce_sum3A_37 = arith.constant dense<0.000000e+00> : vector<1000xf32>
    %reduce_sum3A_38 = vector.multi_reduction <add>, %get3A_36, %reduce_sum3A_37 [1] : vector<1000x32xf32> to vector<1000xf32>
    %broadcast_in_dim3A_39 = vector.shape_cast %reduce_sum3A_38 : vector<1000xf32> to vector<1000x1xf32>
    %add3A_40 = arith.addf %broadcast_in_dim3A_39, %exp3A : vector<1000x1xf32>
    %add3A_41 = arith.constant 1.000000e-16 : f32
    %add3A_42 = vector.broadcast %add3A_41 : f32 to vector<1000x1xf32>
    %add3A_43 = arith.addf %add3A_40, %add3A_42 : vector<1000x1xf32>
    %div3A = vector.broadcast %add3A_43 : vector<1000x1xf32> to vector<1000x128xf32>
    %div3A_44 = arith.divf %add3A_33, %div3A : vector<1000x128xf32>
    %get3A_45 = arith.constant 0 : index
    %get3A_46 = arith.constant 0 : index
    %get3A_47 = vector.load %arg6[%get3A_45, %get3A_46] : memref<1x128xf32, #tpu.memory_space<vmem>>, vector<1x128xf32>
    %add3A_48 = vector.broadcast %get3A_47 : vector<1x128xf32> to vector<1000x128xf32>
    %add3A_49 = arith.addf %div3A_44, %add3A_48 : vector<1000x128xf32>
    %swap3A = arith.constant 0 : index
    %swap3A_50 = arith.constant 0 : index
    %swap3A_51 = vector.load %arg7[%swap3A, %swap3A_50] : memref<1000x128xf32, #tpu.memory_space<vmem>>, vector<1000x128xf32>
    tpu.vector_store %arg7[%swap3A, %swap3A_50], %add3A_49 {strides = array<i32>} : memref<1000x128xf32, #tpu.memory_space<vmem>>, vector<1000x128xf32>,
    return
  }
  func.func @transform_0(%arg0: i32) -> (i32, i32, i32) {
    %c0_i32 = arith.constant 0 : i32
    %c0_i32_0 = arith.constant 0 : i32
    %c0_i32_1 = arith.constant 0 : i32
    return %c0_i32, %arg0, %c0_i32_0 : i32, i32, i32
  }
  func.func @transform_1(%arg0: i32) -> (i32, i32) {
    %c0_i32 = arith.constant 0 : i32
    %c0_i32_0 = arith.constant 0 : i32
    return %arg0, %c0_i32 : i32, i32
  }
  func.func @transform_2(%arg0: i32) -> (i32, i32) {
    %c0_i32 = arith.constant 0 : i32
    %c0_i32_0 = arith.constant 0 : i32
    return %arg0, %c0_i32 : i32, i32
  }
  func.func @transform_3(%arg0: i32) -> (i32, i32) {
    %c0_i32 = arith.constant 0 : i32
    %c0_i32_0 = arith.constant 0 : i32
    %c0_i32_1 = arith.constant 0 : i32
    return %c0_i32, %c0_i32_0 : i32, i32
  }
  func.func @transform_4(%arg0: i32) -> (i32, i32) {
    %c0_i32 = arith.constant 0 : i32
    %c0_i32_0 = arith.constant 0 : i32
    %c0_i32_1 = arith.constant 0 : i32
    return %c0_i32, %c0_i32_0 : i32, i32
  }
  func.func @transform_5(%arg0: i32) -> (i32, i32) {
    %c0_i32 = arith.constant 0 : i32
    %c0_i32_0 = arith.constant 0 : i32
    %c0_i32_1 = arith.constant 0 : i32
    return %c0_i32, %c0_i32_0 : i32, i32
  }
  func.func @transform_6(%arg0: i32) -> (i32, i32) {
    %c0_i32 = arith.constant 0 : i32
    %c0_i32_0 = arith.constant 0 : i32
    return %arg0, %c0_i32 : i32, i32
  }
}

</mosaic_0001>

<sc_bundles>
// kernel: kernel.5.cloned.1.call-start
scs
__scs_entry_jumppad:
0x0: {  	(pc) =	sbr.rel $0x88, $3  }
0x1: {  	(tag) =	ssettag $0x0;
	lr =	simm.s32 $0x1  }
0x2: {  	[smem:$0x3F9B] =	sst lr;
	_ =	strace $0xD0000000  }
0x3: {  	_ = 	snop  }
0x4: {  	_ = 	snop  }
0x5: {  	_ = 	snop  }
0x6: {  	_ = 	snop  }
0x7: {  	_ = 	snop  }
__scs_overlays_trampoline_lowered:
0x8: {  	[smem:$0x3FAA] =	sst s0  }
0x9: {  	[smem:$0x3FAB] =	sst s1  }
0xa: {  	[smem:$0x3FAC] =	sst s2  }
0xb: {  	[smem:$0x3FAD] =	sst s3  }
0xc: {  	[smem:$0x3FAE] =	sst s4  }
0xd: {  	[smem:$0x3FAF] =	sst s5  }
0xe: {  	[smem:$0x3FB0] =	sst s6  }
0xf: {  	[smem:$0x3FB1] =	sst s7  }
0x10: {  	[smem:$0x3FB2] =	sst s8  }
0x11: {  	[smem:$0x3FB3] =	sst s9;
	s0 =	simm.s32 @!p0 $0x0  }
0x12: {  	s1 =	sld [smem:$0x3F99];
	s0 =	simm.s32 @p0 $0x1  }
0x13: {  	[smem:$0x3FB4] =	sst s0;
	s0 =	simm.s32 @!p1 $0x0  }
0x14: {  	s2 =	sld [smem:$0x3F98];
	s0 =	simm.s32 @p1 $0x1  }
0x15: {  	[smem:$0x3FB5] =	sst s0;
	s0 =	simm.s32 @!p2 $0x0  }
0x16: {  	s3 =	sld [smem:$0x3FDB];
	s0 =	simm.s32 @p2 $0x1  }
0x17: {  	s4 =	simm.s32 $0x1BF5;
	[smem:$0x3FB7] =	sst s0  }
0x18: {  	s0 =	sld [smem:$0x3F9A];
	_ =	swait.ge [sflag:s4], $0x0  }
0x19: {  	s7 =	sld [smem:$0x3F9B]  }
0x1a: {  	s8 =	sadd.s32 $0xFFFFE003, lr  }
0x1b: {  	s9 =	sadd.s32 $0xFFFFFEF7, lr;
	s5 =	simm.s32 $0xFFFFFFFF;
	p2 =	slt.u32 s8, $0xFFFFF086  }
0x1c: {  	p1 =	slt.u32 s9, $0xF7A;
	s5 =	simm.s32 @!p2 $0x0  }
0x1d: {  	s5 =	simm.s32 @p1 $0x1;
	p0 =	seq.s32 s7, s2  }
0x1e: {  	s7 =	smul.u32 @!p0 $0xF7A, s2;
	p2 =	seq.s32 @!p0 s5, $0x0  }
0x1f: {  	s9 =	smul.u32 $0xF7A, s1;
	s8 =	simm.s32 @!p0 $0x1BF5;
	p2 =	por !p2, p0  }
0x20: {  	[sflag:s8] =	ssyncset.s32 @!p0 $0xFFFFF086;
	s6 =	sadd.s32 @!p0 s3, s7;
	s7 =	simm.s32 @!p0 $0x108  }
0x21: {  	s3 =	sadd.s32 s3, s9;
	s6 =	sadd.s32 @!p0 $0x88, s6;
	s7 =	simm.s32 @p2 $0x1082  }
0x22: {  	[simem:s7], [sflag:s8] =	dma.local @!p0 [hbm:s6], $0xF7A  }
0x23: {  	s9 =	sor.u32 $0xD0000000, s2;
	s6 =	simm.s32 $0x108;
	_ =	swait.ge @!p0 [sflag:s8], $0x0  }
0x24: {  	s3 =	sadd.s32 $0x88, s3;
	s6 =	simm.s32 @!p1 $0x1082;
	[sflag:s4] =	ssyncset.s32 $0xFFFFF086  }
0x25: {  	[simem:s6], [sflag:s4] =	dma.local [hbm:s3], $0xF7A  }
0x26: {  	[smem:$0x3F9B] =	sst s1;
	(tag) =	ssettag s2;
	_ =	strace s9  }
0x27: {  	s1 =	sld [smem:$0x3FAB]  }
0x28: {  	s2 =	sld [smem:$0x3FAC]  }
0x29: {  	s4 =	sld [smem:$0x3FAE]  }
0x2a: {  	p0 =	seq.s32 s5, $0x0;
	s5 =	sld [smem:$0x3FAF]  }
0x2b: {  	s6 =	sld [smem:$0x3FB0]  }
0x2c: {  	s7 =	sld [smem:$0x3FB1]  }
0x2d: {  	s3 =	simm.s32 $0x108;
	s8 =	sld [smem:$0x3FB2]  }
0x2e: {  	s3 =	simm.s32 @!p0 $0x1082;
	s9 =	sld [smem:$0x3FB3]  }
0x2f: {  	lr =	sadd.s32 s0, s3;
	s0 =	sld [smem:$0x3FAA]  }
0x30: {  	s3 =	sld [smem:$0x3FAD]  }
0x31: {  	[smem:$0x3FB6] =	sst s10  }
0x32: {  	s10 =	sld [smem:$0x3FB4];
	_ =	sdelay $0x3  }
0x33: {  	p0 =	seq.s32 s10, $0x1;
	s10 =	sld [smem:$0x3FB6];
	_ =	sdelay $0x3  }
0x34: {  	[smem:$0x3FB6] =	sst s10  }
0x35: {  	s10 =	sld [smem:$0x3FB5];
	_ =	sdelay $0x3  }
0x36: {  	p1 =	seq.s32 s10, $0x1;
	s10 =	sld [smem:$0x3FB6];
	_ =	sdelay $0x3  }
0x37: {  	[smem:$0x3FB6] =	sst s10  }
0x38: {  	s10 =	sld [smem:$0x3FB7]  }
0x39: {  	_ = 	snop;
	(pc) =	sbr.ind lr, $3  }
0x3a: {  	_ = 	snop  }
0x3b: {  	_ = 	snop  }
0x3c: {  	p2 =	seq.s32 s10, $0x1;
	s10 =	sld [smem:$0x3FB6]  }
0x3d: {  	_ =	shalt  }
0x3e: {  	_ =	shalt  }
0x3f: {  	_ =	shalt  }
0x40: {  	_ =	shalt  }
0x41: {  	_ =	shalt  }
0x42: {  	_ =	shalt  }
0x43: {  	_ =	shalt  }
0x44: {  	_ =	shalt  }
0x45: {  	_ =	shalt  }
0x46: {  	_ =	shalt  }
0x47: {  	_ =	shalt  }
0x48: {  	_ =	shalt  }
0x49: {  	_ =	shalt  }
0x4a: {  	_ =	shalt  }
0x4b: {  	_ =	shalt  }
0x4c: {  	_ =	shalt  }
0x4d: {  	_ =	shalt  }
0x4e: {  	_ =	shalt  }
0x4f: {  	_ =	shalt  }
0x50: {  	_ =	shalt  }
0x51: {  	_ =	shalt  }
0x52: {  	_ =	shalt  }
0x53: {  	_ =	shalt  }
0x54: {  	_ =	shalt  }
0x55: {  	_ =	shalt  }
0x56: {  	_ =	shalt  }
0x57: {  	_ =	shalt  }
0x58: {  	_ =	shalt  }
0x59: {  	_ =	shalt  }
0x5a: {  	_ =	shalt  }
0x5b: {  	_ =	shalt  }
0x5c: {  	_ =	shalt  }
0x5d: {  	_ =	shalt  }
0x5e: {  	_ =	shalt  }
0x5f: {  	_ =	shalt  }
0x60: {  	_ =	shalt  }
0x61: {  	_ =	shalt  }
0x62: {  	_ =	shalt  }
0x63: {  	_ =	shalt  }
0x64: {  	_ =	shalt  }
0x65: {  	_ =	shalt  }
0x66: {  	_ =	shalt  }
0x67: {  	_ =	shalt  }
0x68: {  	_ =	shalt  }
0x69: {  	_ =	shalt  }
0x6a: {  	_ =	shalt  }
0x6b: {  	_ =	shalt  }
0x6c: {  	_ =	shalt  }
0x6d: {  	_ =	shalt  }
0x6e: {  	_ =	shalt  }
0x6f: {  	_ =	shalt  }
0x70: {  	_ =	shalt  }
0x71: {  	_ =	shalt  }
0x72: {  	_ =	shalt  }
0x73: {  	_ =	shalt  }
0x74: {  	_ =	shalt  }
0x75: {  	_ =	shalt  }
0x76: {  	_ =	shalt  }
0x77: {  	_ =	shalt  }
0x78: {  	_ =	shalt  }
0x79: {  	_ =	shalt  }
0x7a: {  	_ =	shalt  }
0x7b: {  	_ =	shalt  }
0x7c: {  	_ =	shalt  }
0x7d: {  	_ =	shalt  }
0x7e: {  	_ =	shalt  }
0x7f: {  	_ =	shalt  }
0x80: {  	_ =	shalt  }
0x81: {  	_ =	shalt  }
0x82: {  	_ =	shalt  }
0x83: {  	_ =	shalt  }
0x84: {  	_ =	shalt  }
0x85: {  	_ =	shalt  }
0x86: {  	_ =	shalt  }
0x87: {  	_ =	shalt  }
.Lfunc_end0:
.L_simem_size_0:
called_computation_lowered:
.L_overlay_start_0:
0x88: {  	s2 =	sld [smem:$0x3FD9]  }
0x89: {  	s3 =	sld [smem:$0x3FFE];
	_ =	sdelay $0x1  }
0x8a: {  	s1 =	srdreg.scid  }
0x8b: {  	s0 =	sand.u32 $0x1, s1  }
0x8c: {  	s17 =	sshll.u32 s0, $0xA;
	s2 =	sadd.s32 s3, s2  }
0x8d: {  	s2 =	sadd.s32 s2, s17  }
0x8e: {  	[smem:$0x3FC2] =	sst s2  }
0x8f: {  	_ = 	snop  }
0x90: {  	s2 =	sld [smem:$0x3FD0];
	(tm) =	ssettm $0x1  }
0x91: {  	s18 =	sld [smem:$0x3FFB];
	_ =	sdelay $0x3  }
0x92: {  	_ =	strace s18  }
0x93: {  	s3 =	sld [smem:$0x3FFC];
	_ =	sdelay $0x3  }
0x94: {  	_ =	strace s3  }
0x95: {  	s3 =	sld [smem:$0x3FFD];
	_ =	sdelay $0x3  }
0x96: {  	_ =	strace s3  }
0x97: {  	_ =	strace $0x8FFFFFFF  }
0x98: {  	s19 =	sld [smem:$0x3FDB];
	_ =	sdelay $0x1  }
0x99: {  	s4 =	simm.s32 $_scs_section_size  }
0x9a: {  	s5 =	simm.s32 $_size__tile_overlayer_lowered;
	s6 =	simm.s32 $_tile_overlayer_lowered  }
0x9b: {  	s22 =	simm.s32 $0x1BFF;
	s21 =	sshll.u32 s6, $0x1;
	s3 =	sadd.s32 s4, s19  }
0x9c: {  	s7 =	simm.s32 $0x0;
	s20 =	sshll.u32 s5, $0x1;
	s5 =	sadd.s32 s21, s3  }
0x9d: {  	[timem:s7], [sflag:s22] =	dma.local [hbm:s5], s20  }
0x9e: {  	_ =	swait.ge [sflag:s22], s20  }
0x9f: {  	s4 =	ssub.s32 $0x0, s20;
	[sflag:s22] =	ssyncset.done $0x0  }
0xa0: {  	[sflag:s22] =	ssyncadd.s32 s4;
	_ =	sdelay $0x1  }
0xa1: {  	s23 =	simm.s32 $0x1B8B  }
0xa2: {  	_ =	swait.ge [sflag:s23], $0x1  }
0xa3: {  	[sflag:s23] =	ssyncset.done $0x0  }
0xa4: {  	s25 =	simm.s32 $0x1B8E;
	s24 =	sld [smem:$0x3FFE];
	[sflag:s23] =	ssyncadd.s32 $0xFFFFFFFF  }
0xa5: {  	s26 =	simm.s32 $execute0_lowered;
	[smem:$0x3FD2] =	sst s25  }
0xa6: {  	s5 =	sshll.u32 s26, $0x1;
	_ =	strace $0x80000046;
	[dreg:$0x1] =	wrdreg $0xFFFFFFFF  }
0xa7: {  	s28 =	simm.s32 $_size_execute0_lowered;
	s3 =	sadd.s32 s3, s5;
	[dreg:$0x0] =	wrdreg $0x0  }
0xa8: {  	s5 =	sshll.u32 s28, $0x1;
	[dreg:$0x2] =	wrdreg s3  }
0xa9: {  	[dreg:$0x3] =	wrdreg s5  }
0xaa: {  	[dreg:$0x4] =	wrdreg $0xC0  }
0xab: {  	_ =	task [dreg:s7], $0x5FFFF  }
0xac: {  	[dreg:$0x1] =	wrdreg $0xFFFFFFFF  }
0xad: {  	[dreg:$0x0] =	wrdreg $0x60  }
0xae: {  	[dreg:$0x2] =	wrdreg s24  }
0xaf: {  	[dreg:$0x3] =	wrdreg s2  }
0xb0: {  	[dreg:$0x4] =	wrdreg $0x0  }
0xb1: {  	[dreg:$0x5] =	wrdreg $0x9  }
0xb2: {  	_ =	task.clear_ibuf [dreg:s7], $0x6FFFF;
	_ =	strace $0x90000046  }
0xb3: {  	s29 =	simm.s32 $0x9;
	_ =	strace $0x8000004A  }
0xb4: {  	_ =	swait.ge [sflag:s29], $0x1  }
0xb5: {  	[sflag:s29] =	ssyncadd.s32 $0xFFFFFFFF  }
0xb6: {  	_ =	strace $0x9000004A  }
0xb7: {  	_ =	sfence  }
0xb8: {  	s30 =	sld [smem:$0x0];
	_ =	sdelay $0x2  }
0xb9: {  	s31 =	sshll.u32 s1, $0xD;
	s1 =	sshrl.u32 s1, $0x2  }
0xba: {  	s3 =	sand.u32 $0x4000, s31;
	s1 =	sadd.s32 s1, s30  }
0xbb: {  	s0 =	sor.u32 s3, s0;
	s1 =	sshll.u32 s1, $0x11  }
0xbc: {  	s0 =	sor.u32 s1, s0  }
0xbd: {  	s0 =	sadd.s32 $0x8F2B, s0  }
0xbe: {  	[sflag:s0] =	ssyncadd.remote.s32 $0x1  }
0xbf: {  	_ =	sfence.sel $0xFFFF  }
0xc0: {  	[dreg:$0x0] =	wrdreg $0xFFFFFFFF;
	(pc) =	sbr.abs _section_cstart, $3  }
0xc1: {  	[dreg:$0x1] =	wrdreg $0xFFFFFFFF  }
0xc2: {  	_ =	task.clear_ibuf [dreg:s7], $0x2FFFF;
	_ =	strace $0x9FFFFFFF  }
0xc3: {  	(tm) =	ssettm $0x7FFFFFFF  }
tec
execute0_lowered:
.L_overlay_start_1:
0x0: {  	(tag) =	ssettag $0x1  }
0x1: {  	s0 =	rddreg [dreg:$0x0]  }
0x2: {  	s20 =	rddreg [dreg:$0x1]  }
0x3: {  	s1 =	rddreg [dreg:$0x2];
	s2 =	simm.s32 $0x0;
	s4 =	srdreg.scid  }
0x4: {  	s21 =	stileid.u32;
	s28 =	simm.s32 $0x13C00;
	s29 =	simm.s32 $0x5  }
0x5: {  	[smem:$0x7FF] =	sst s2;
	s4 =	sand.u32 $0x1, s4;
	s5 =	sadd.s32 $0x29A00, s0  }
0x6: {  	s3 =	sadd.s32 $0x28E00, s0;
	s22 =	sadd.s32 $0x29400, s0;
	s12 =	smul.u32 $0x4F000, s21  }
0x7: {  	s8 =	sadd.s32 $0xE00, s0;
	s7 =	sadd.s32 $0x47800, s0;
	s23 =	smul.u32 $0x13C00, s21  }
0x8: {  	s9 =	sadd.s32 $0x33A00, s0;
	s19 =	smul.u32 $0x2800, s21;
	_ =	strace $0x80000047  }
0x9: {  	s6 =	sshll.u32 s4, $0x4;
	[dreg:$0x4] =	wrdreg s3;
	s24 =	smul.u32 $0x13C000, s4  }
0xa: {  	[dreg:$0x5] =	wrdreg s22;
	s11 =	ssub.s32 $0x2, s4;
	s4 =	smul.u32 $0x28000, s4  }
0xb: {  	s6 =	sor.u32 s21, s6;
	s13 =	sshrl.u32 s11, $0x1;
	s12 =	sshrl.u32 s12, $0x2  }
0xc: {  	s25 =	sadd.s32 $0x4000, s23;
	s14 =	sadd.s32 $0x8000, s23;
	s15 =	sadd.s32 $0xC000, s23  }
0xd: {  	s16 =	sadd.s32 $0x10000, s23;
	s10 =	smul.u32 $0x4F0, s6;
	s11 =	ssub.s32 s11, s13  }
0xe: {  	s22 =	sadd.s32 s12, s1;
	s13 =	sadd.s32 s23, s24;
	s17 =	sadd.s32 s24, s25  }
0xf: {  	s18 =	sadd.s32 s24, s14;
	s21 =	sadd.s32 s25, s1;
	[dreg:$0x7] =	wrdreg s22  }
0x10: {  	s14 =	sadd.s32 s14, s1;
	s23 =	sadd.s32 s16, s1;
	[dreg:$0xd] =	wrdreg s21  }
0x11: {  	s13 =	sshrl.u32 s13, $0x3;
	s17 =	sshrl.u32 s17, $0x3;
	[dreg:$0xe] =	wrdreg s14  }
0x12: {  	s3 =	sshrl.u32 s18, $0x3;
	[dreg:$0x11] =	wrdreg s23;
	s26 =	sadd.s32 s7, s13  }
0x13: {  	s0 =	sadd.s32 s10, s0;
	s31 =	sadd.s32 s7, s17;
	[dreg:$0x8] =	wrdreg s26  }
0x14: {  	s10 =	smul.u32 $0x2800, s6;
	s13 =	sadd.s32 s7, s3;
	[dreg:$0x9] =	wrdreg s31  }
0x15: {  	s17 =	sadd.s32 s24, s15;
	s15 =	sadd.s32 s15, s1;
	[dreg:$0xa] =	wrdreg s13  }
0x16: {  	s6 =	smul.u32 $0x500, s6;
	s0 =	sadd.s32 $0x3DA00, s0;
	[dreg:$0xf] =	wrdreg s15  }
0x17: {  	s13 =	sshrl.u32 s17, $0x3;
	s31 =	smax.u32 s11, $0x1;
	[dreg:$0x6] =	wrdreg s0  }
0x18: {  	s0 =	sadd.s32 s24, s16;
	s18 =	sadd.s32 s7, s13;
	[dreg:$0x15] =	wrdreg s31  }
0x19: {  	s24 =	sshrl.u32 s10, $0x3;
	s25 =	sadd.s32 s20, s6;
	[dreg:$0xb] =	wrdreg s18  }
0x1a: {  	s0 =	sshrl.u32 s0, $0x3;
	[dreg:$0x12] =	wrdreg s25;
	s26 =	sadd.s32 s5, s24  }
0x1b: {  	s30 =	simm.s32 $0x16400;
	s0 =	sadd.s32 s7, s0;
	[dreg:$0x13] =	wrdreg s26  }
0x1c: {  	s1 =	simm.s32 $0x0;
	[dreg:$0xc] =	wrdreg s0;
	s0 =	sadd.s32 s19, s4  }
0x1d: {  	s11 =	simm.s32 $0x80;
	[dreg:$0x10] =	wrdreg s0;
	s0 =	sadd.s32 s9, s24  }
0x1e: {  	v0 =	vimm.f32 $0.0e+00;
	s16 =	simm.s32 $0x2;
	s4 =	simm.s32 $0x18C00;
	[dreg:$0x14] =	wrdreg s0  }
.LBB2_1:
0x1f: {  	[dreg:$0x16] =	wrdreg s1  }
0x20: {  	_ =	strace $0x80000048  }
0x21: {  	s0 =	simm.s32 $0x0;
	s26 =	rddreg [dreg:$0x4]  }
0x22: {  	[tilespmem:s28], [sflag:$0x5] =	stream.linear.gather [hbm4b:s26+s0], $0x2800, $0x200038;
	[tilespmem:$0x1D680] =	vst v63  }
0x23: {  	_ =	swait.ge [sflag:s29], $0x2800  }
0x24: {  	[sflag:s29] =	ssyncset.done $0x0  }
0x25: {  	s31 =	rddreg [dreg:$0x5];
	[sflag:s29] =	ssyncadd.s32 $0xFFFFD800  }
0x26: {  	[tilespmem:s30], [sflag:$0x5] =	stream.linear.gather [hbm4b:s31+s0], $0x2800, $0x200038;
	[tilespmem:$0x1D680] =	vst v63  }
0x27: {  	_ =	swait.ge [sflag:s29], $0x2800  }
0x28: {  	s14 =	simm.s32 $0x0;
	[sflag:s29] =	ssyncset.done $0x0  }
0x29: {  	s6 =	simm.s32 $0x0;
	s0 =	simm.s32 $0x40;
	[sflag:s29] =	ssyncadd.s32 $0xFFFFD800  }
.LBB2_2:
0x2a: {  	p0 =	sne.s32 s0, $0x9DC0;
	[tilespmem:s6+$0x18C00] =	vst v0;
	s6 =	smov.u32 s0;
	s0 =	sadd.s32 $0x40, s0  }
.Ltmp0:
0x2b: {  	(pc) =	sbr.rel @p0 .LBB2_2-.Ltmp0, $2  }
0x2c: {  	_ =	sdelay $0x2  }
0x2d: {  	s6 =	sshra.s32 s6, $0x2  }
0x2e: {  	[tilespmem:s6+$0x18C00] =	vst v0;
	s25 =	simm.s32 $0x0;
	s26 =	rddreg [dreg:$0x10];
	s21 =	simm.s32 $0x0  }
.LBB2_4:
0x2f: {  	s0 =	sshll.u32 s21, $0xB  }
0x30: {  	s0 =	sadd.s32 s10, s0  }
0x31: {  	s7 =	sshrl.u32 s0, $0x3  }
0x32: {  	s1 =	simm.s32 $0x1B380;
	s0 =	sadd.s32 s5, s7  }
0x33: {  	[tilespmem:s1], [sflag:$0x5] =	stream.linear.gather [hbm4b:s0+s25], $0x800, $0x200038;
	[tilespmem:$0x1D680] =	vst v63  }
0x34: {  	_ =	swait.ge [sflag:s29], $0x800  }
0x35: {  	[sflag:s29] =	ssyncset.done $0x0  }
0x36: {  	s23 =	simm.s32 $0x1BB80;
	s22 =	sadd.s32 s20, s7;
	[sflag:s29] =	ssyncadd.s32 $0xFFFFF800  }
0x37: {  	[tilespmem:s23], [sflag:$0x5] =	stream.linear.gather [hbm4b:s22+s25], $0x800, $0x200038;
	[tilespmem:$0x1D680] =	vst v63  }
0x38: {  	s24 =	sand.u32 $0x1E00, s25;
	s6 =	simm.s32 $0x10;
	_ =	swait.ge [sflag:s29], $0x800  }
0x39: {  	s31 =	simm.s32 $0x0;
	s0 =	sshrl.u32 s24, $0x2;
	[sflag:s29] =	ssyncset.done $0x0  }
0x3a: {  	s6 =	sand.u32 $0x70, s6;
	s0 =	sadd.s32 $0x1BB80, s0;
	[sflag:s29] =	ssyncadd.s32 $0xFFFFF800  }
0x3b: {  	s6 =	sor.u32 s6, s0;
	v2 =	vld [tilespmem:s31+$0x1B390]  }
0x3c: {  	v7 =	vld [tilespmem:s6+$0x0];
	_ =	sdelay $0x1  }
0x3d: {  	s1 =	sand.u32 $0x60, s25  }
0x3e: {  	s0 =	sor.u32 s1, s0  }
0x3f: {  	s2 =	simm.s32 $0x80;
	v1 =	vld [tilespmem:s0+$0x0]  }
0x40: {  	s12 =	simm.s32 $0x20;
	v3 =	vld [tilespmem:s31+$0x1B380];
	s0 =	sand.u32 $0x1E00, s2  }
0x41: {  	s3 =	simm.s32 $0x30;
	v6 =	vld [tilespmem:s12+$0x1B390];
	s0 =	sshrl.u32 s0, $0x2  }
0x42: {  	s6 =	sand.u32 $0x70, s3;
	s0 =	sadd.s32 $0x1BB80, s0;
	v4 =	vld.idx.msk [tilespmem:v2+s28+$0x0], $0xffff  }
0x43: {  	s6 =	sor.u32 s6, s0;
	v5 =	vld.idx.msk [tilespmem:v7+s30+$0x0], $0xffff  }
0x44: {  	v8 =	vld [tilespmem:s6+$0x0]  }
0x45: {  	s18 =	simm.s32 $0x20  }
0x46: {  	s15 =	sand.u32 $0x60, s18  }
0x47: {  	v9 =	vld [tilespmem:s12+$0x1B380];
	s0 =	sor.u32 s15, s0  }
0x48: {  	v2 =	vld [tilespmem:s0+$0x0];
	v4 =	vadd.f32 v5, v4  }
0x49: {  	v3 =	vld.idx.msk [tilespmem:v3+s28+$0x0], $0xffff  }
0x4a: {  	s17 =	simm.s32 $0x100;
	v6 =	vld.idx.msk [tilespmem:v6+s28+$0x0], $0xffff;
	v10 =	vmul.f32 $2.000000030e-01, v4  }
0x4b: {  	s0 =	sand.u32 $0x1E00, s17;
	v5 =	vld.idx.msk [tilespmem:v1+s30+$0x0], $0xffff;
	vm0 =	vge.f32 v4, $0.0e+00  }
0x4c: {  	s18 =	simm.s32 $0x50;
	s0 =	sshrl.u32 s0, $0x2;
	v11 =	vld.idx.msk [tilespmem:v8+s30+$0x0], $0xffff;
	v4 =	vsel vm0, v4, v10  }
0x4d: {  	s23 =	simm.s32 $0x40;
	s6 =	sand.u32 $0x70, s18;
	s0 =	sadd.s32 $0x1BB80, s0;
	v12 =	vmul.f32 $1.442695020e+00, v4  }
0x4e: {  	s6 =	sor.u32 s6, s0;
	v10 =	vld [tilespmem:s23+$0x1B390]  }
0x4f: {  	v4 =	vld [tilespmem:s6+$0x0];
	(erf) = vpow2.f32 v12  }
0x50: {  	s18 =	simm.s32 $0x60;
	v5 =	vadd.f32 v5, v3  }
0x51: {  	v15 =	vld [tilespmem:s18+$0x1B390];
	v6 =	vadd.f32 v11, v6  }
0x52: {  	s24 =	simm.s32 $0x40;
	v9 =	vld.idx.msk [tilespmem:v9+s28+$0x0], $0xffff;
	v12 =	vmul.f32 $2.000000030e-01, v5  }
0x53: {  	s19 =	sand.u32 $0x60, s24;
	v13 =	vld.idx.msk [tilespmem:v2+s30+$0x0], $0xffff;
	v14 =	vmul.f32 $2.000000030e-01, v6;
	vm11 =	vge.f32 v5, $0.0e+00  }
0x54: {  	s13 =	smov.u32 s20;
	s20 =	simm.s32 $0x180;
	s0 =	sor.u32 s19, s0;
	v11 =	vld [tilespmem:s23+$0x1B380];
	vm12 =	vge.f32 v6, $0.0e+00;
	v5 =	vsel vm11, v5, v12  }
0x55: {  	v3 =	vld [tilespmem:s0+$0x0];
	s0 =	sand.u32 $0x1E00, s20;
	v6 =	vsel vm12, v6, v14;
	v5 =	vmul.f32 $1.442695020e+00, v5  }
0x56: {  	s22 =	simm.s32 $0x70;
	s0 =	sshrl.u32 s0, $0x2;
	v14 =	vmul.f32 $1.442695020e+00, v6;
	v10 =	vld.idx.msk [tilespmem:v10+s28+$0x0], $0xffff  }
0x57: {  	s20 =	sand.u32 $0x70, s22;
	s0 =	sadd.s32 $0x1BB80, s0;
	(erf) = vpow2.f32 v5;
	v12 =	vld.idx.msk [tilespmem:v4+s30+$0x0], $0xffff  }
0x58: {  	s20 =	sor.u32 s20, s0;
	v16 =	vpop (erf);
	(erf) = vpow2.f32 v14  }
0x59: {  	v6 =	vld [tilespmem:s20+$0x0]  }
0x5a: {  	v13 =	vadd.f32 v13, v9;
	_ =	sdelay $0x1  }
0x5b: {  	s19 =	simm.s32 $0x60;
	v18 =	vmul.f32 $2.000000030e-01, v13;
	v11 =	vld.idx.msk [tilespmem:v11+s28+$0x0], $0xffff;
	v10 =	vadd.f32 v12, v10  }
0x5c: {  	s6 =	sadd.s32 $0x0, s26;
	s22 =	sand.u32 $0x60, s19;
	vm13 =	vge.f32 v13, $0.0e+00;
	v17 =	vld.idx.msk [tilespmem:v3+s30+$0x0], $0xffff  }
0x5d: {  	v15 =	vld.idx.msk [tilespmem:v15+s28+$0x0], $0xffff;
	s15 =	sadd.s32 $0x10, s6;
	s0 =	sor.u32 s22, s0;
	v13 =	vsel vm13, v13, v18;
	v18 =	vmul.f32 $2.000000030e-01, v10  }
0x5e: {  	s1 =	simm.s32 $0x200;
	s17 =	sadd.s32 $0x20, s26;
	p0 =	slt.u32 s15, $0x4E200;
	v5 =	vld [tilespmem:s0+$0x0];
	vm14 =	vge.f32 v10, $0.0e+00  }
0x5f: {  	s2 =	simm.s32 $0x90;
	s20 =	sadd.s32 $0x10, s17;
	s0 =	sand.u32 $0x1E00, s1;
	v14 =	vpsel !p0, $0x0, v16;
	v16 =	vld [tilespmem:s18+$0x1B380];
	v12 =	vpop (erf);
	v10 =	vsel vm14, v10, v18;
	v18 =	vmul.f32 $1.442695020e+00, v13  }
0x60: {  	p5 =	slt.u32 s20, $0x4E200;
	s20 =	simm.s32 $0x80;
	s0 =	sshrl.u32 s0, $0x2;
	v19 =	vld.idx.msk [tilespmem:v6+s30+$0x0], $0xffff;
	v20 =	vpop (erf)  }
0x61: {  	s15 =	sand.u32 $0x70, s2;
	s0 =	sadd.s32 $0x1BB80, s0;
	v17 =	vadd.f32 v17, v11;
	v11 =	vld [tilespmem:s20+$0x1B390];
	(erf) = vpow2.f32 v18;
	v20 =	vpsel !p5, $0x0, v20  }
0x62: {  	s22 =	simm.s32 $0x80;
	s15 =	sor.u32 s15, s0;
	[tilespmem:v8+s4+$0x0] =	vst.idx.add.f32.msk $0xffff, v20;
	v8 =	vmul.f32 $1.442695020e+00, v10  }
0x63: {  	s3 =	sand.u32 $0x60, s22;
	v9 =	vld [tilespmem:s15+$0x0]  }
0x64: {  	s0 =	sor.u32 s3, s0;
	[tilespmem:v7+s4+$0x0] =	vst.idx.add.f32.msk $0xffff, v14;
	(erf) = vpow2.f32 v8  }
0x65: {  	v7 =	vld [tilespmem:s0+$0x0]  }
0x66: {  	p6 =	slt.u32 s6, $0x4E200;
	[tilespmem:s31+$0x1C390] =	vst v14;
	v21 =	vmul.f32 $2.000000030e-01, v17;
	v13 =	vld [tilespmem:s20+$0x1B380]  }
0x67: {  	s6 =	simm.s32 $0xA0;
	vm15 =	vge.f32 v17, $0.0e+00;
	v15 =	vadd.f32 v19, v15;
	v14 =	vld.idx.msk [tilespmem:v16+s28+$0x0], $0xffff;
	v10 =	vpsel !p6, $0x0, v12;
	[tilespmem:s12+$0x1C390] =	vst v20  }
0x68: {  	p0 =	slt.u32 s17, $0x4E200;
	s0 =	simm.s32 $0x8;
	v16 =	vsel vm15, v17, v21;
	v12 =	vld.idx.msk [tilespmem:v5+s30+$0x0], $0xffff;
	[tilespmem:s31+$0x1C380] =	vst v10;
	s31 =	simm.s32 $0x280;
	v8 =	vmov v9  }
.LBB2_5:
0x69: {  	s15 =	sand.u32 $0x1E00, s31;
	s0 =	sadd.s32 $0x2, s0;
	v17 =	vmul.f32 $2.000000030e-01, v15;
	v20 =	vmul.f32 $1.442695020e+00, v16;
	s24 =	sadd.s32 s24, s26;
	[tilespmem:v1+s4+$0x0] =	vst.idx.add.f32.msk $0xffff, v10;
	v1 =	vmovc v2;
	v2 =	vmovc v3;
	v3 =	vmov v5  }
0x6a: {  	s3 =	sadd.s32 $0x10, s6;
	vm0 =	vge.f32 v15, $0.0e+00;
	v5 =	vmov v7;
	s15 =	sshrl.u32 s15, $0x2;
	p1 =	slt.u32 s0, $0x7E;
	v18 =	vld.idx.msk [tilespmem:v11+s28+$0x0], $0xffff;
	v10 =	vpop (erf)  }
0x6b: {  	s17 =	sshra.s32 s31, $0x2;
	s3 =	sand.u32 $0x70, s3;
	s15 =	sadd.s32 $0x1BB80, s15;
	v19 =	vld.idx.msk [tilespmem:v9+s30+$0x0], $0xffff;
	v7 =	vsel vm0, v15, v17;
	(erf) = vpow2.f32 v20;
	v10 =	vpsel !p0, $0x0, v10;
	v16 =	vmovc v13  }
0x6c: {  	s1 =	sand.u32 $0x60, s6;
	s2 =	sadd.s32 $0x10, s24;
	v11 =	vld [tilespmem:s17+$0x1B390];
	s3 =	sor.u32 s3, s15;
	v13 =	vmul.f32 $1.442695020e+00, v7;
	[tilespmem:s12+$0x1C380] =	vst v10  }
0x6d: {  	p0 =	slt.u32 s24, $0x4E200;
	p2 =	slt.u32 s2, $0x4E200;
	s1 =	sor.u32 s1, s15;
	v9 =	vld [tilespmem:s3+$0x0];
	v15 =	vpop (erf)  }
.Ltmp1:
0x6e: {  	s12 =	smov.u32 s23;
	s23 =	smov.u32 s18;
	v17 =	vadd.f32 v12, v14;
	v7 =	vld [tilespmem:s1+$0x0];
	(erf) = vpow2.f32 v13;
	v12 =	vpsel !p2, $0x0, v15;
	(pc) =	sbr.rel @p1 .LBB2_5-.Ltmp1, $4  }
0x6f: {  	s24 =	smov.u32 s19;
	s18 =	smov.u32 s20;
	s20 =	smov.u32 s17;
	[tilespmem:v4+s4+$0x0] =	vst.idx.add.f32.msk $0xffff, v12;
	v4 =	vmov v6;
	v6 =	vmov v8  }
0x70: {  	s19 =	smov.u32 s22;
	s22 =	smov.u32 s6;
	vm0 =	vge.f32 v17, $0.0e+00;
	v20 =	vmul.f32 $2.000000030e-01, v17;
	v13 =	vld [tilespmem:s20+$0x1B380];
	[tilespmem:s12+$0x1C390] =	vst v12  }
0x71: {  	v15 =	vadd.f32 v19, v18;
	v12 =	vld.idx.msk [tilespmem:v5+s30+$0x0], $0xffff  }
0x72: {  	s31 =	sadd.s32 $0x80, s31;
	s6 =	sadd.s32 $0x20, s6;
	v14 =	vld.idx.msk [tilespmem:v16+s28+$0x0], $0xffff;
	v16 =	vsel vm0, v17, v20;
	v8 =	vmov v9  }
0x73: {  	_ =	sdelay $0x3  }
0x74: {  	v11 =	vld.idx.msk [tilespmem:v11+s28+$0x0], $0xffff  }
0x75: {  	v9 =	vld.idx.msk [tilespmem:v9+s30+$0x0], $0xffff;
	_ =	sdelay $0x2  }
0x76: {  	v17 =	vmul.f32 $2.000000030e-01, v15;
	v18 =	vld.idx.msk [tilespmem:v7+s30+$0x0], $0xffff  }
0x77: {  	vm0 =	vge.f32 v15, $0.0e+00;
	v13 =	vld.idx.msk [tilespmem:v13+s28+$0x0], $0xffff;
	v12 =	vadd.f32 v12, v14  }
0x78: {  	v16 =	vmul.f32 $1.442695020e+00, v16;
	v15 =	vsel vm0, v15, v17;
	v9 =	vadd.f32 v9, v11  }
0x79: {  	v54 =	vmul.f32 $1.442695020e+00, v15;
	v55 =	vmul.f32 $2.000000030e-01, v12  }
0x7a: {  	(erf) = vpow2.f32 v16;
	vm13 =	vge.f32 v12, $0.0e+00;
	v56 =	vmul.f32 $2.000000030e-01, v9  }
0x7b: {  	(erf) = vpow2.f32 v54;
	vm14 =	vge.f32 v9, $0.0e+00;
	v11 =	vsel vm13, v12, v55  }
0x7c: {  	v57 =	vadd.f32 v18, v13;
	v11 =	vmul.f32 $1.442695020e+00, v11;
	v9 =	vsel vm14, v9, v56  }
0x7d: {  	v9 =	vmul.f32 $1.442695020e+00, v9  }
0x7e: {  	v13 =	vmul.f32 $2.000000030e-01, v57;
	(erf) = vpow2.f32 v11  }
0x7f: {  	v58 =	vpop (erf);
	vm15 =	vge.f32 v57, $0.0e+00;
	(erf) = vpow2.f32 v9  }
0x80: {  	s0 =	sadd.s32 s24, s26;
	v59 =	vsel vm15, v57, v13  }
0x81: {  	[tilespmem:v1+s4+$0x0] =	vst.idx.add.f32.msk $0xffff, v10;
	s1 =	sadd.s32 $0x10, s0;
	v1 =	vpsel !p0, $0x0, v58;
	v9 =	vmul.f32 $1.442695020e+00, v59  }
0x82: {  	s17 =	sadd.s32 s19, s26;
	p1 =	slt.u32 s1, $0x4E200;
	[tilespmem:s12+$0x1C380] =	vst v1;
	v60 =	vpop (erf)  }
0x83: {  	s19 =	sadd.s32 $0x10, s17;
	[tilespmem:v2+s4+$0x0] =	vst.idx.add.f32.msk $0xffff, v1;
	v10 =	vpsel !p1, $0x0, v60;
	v61 =	vpop (erf);
	(erf) = vpow2.f32 v9  }
0x84: {  	p2 =	slt.u32 s0, $0x4E200;
	p3 =	slt.u32 s19, $0x4E200;
	[tilespmem:v4+s4+$0x0] =	vst.idx.add.f32.msk $0xffff, v10;
	v62 =	vpop (erf)  }
0x85: {  	[tilespmem:s23+$0x1C390] =	vst v10;
	v1 =	vpsel !p2, $0x0, v61;
	v2 =	vpsel !p3, $0x0, v62  }
0x86: {  	s22 =	sadd.s32 s22, s26;
	[tilespmem:s23+$0x1C380] =	vst v1  }
0x87: {  	s23 =	sadd.s32 $0x10, s22;
	[tilespmem:v6+s4+$0x0] =	vst.idx.add.f32.msk $0xffff, v2;
	v63 =	vpop (erf)  }
0x88: {  	p4 =	slt.u32 s17, $0x4E200;
	p5 =	slt.u32 s23, $0x4E200;
	[tilespmem:s18+$0x1C390] =	vst v2;
	v2 =	vpop (erf)  }
0x89: {  	[tilespmem:v3+s4+$0x0] =	vst.idx.add.f32.msk $0xffff, v1;
	v1 =	vpsel !p4, $0x0, v63;
	v2 =	vpsel !p5, $0x0, v2  }
0x8a: {  	[tilespmem:s18+$0x1C380] =	vst v1  }
0x8b: {  	[tilespmem:v8+s4+$0x0] =	vst.idx.add.f32.msk $0xffff, v2  }
0x8c: {  	p6 =	slt.u32 s22, $0x4E200;
	[tilespmem:s20+$0x1C390] =	vst v2;
	v2 =	vpop (erf)  }
0x8d: {  	s21 =	sadd.s32 $0x1, s21;
	[tilespmem:v5+s4+$0x0] =	vst.idx.add.f32.msk $0xffff, v1;
	v1 =	vpsel !p6, $0x0, v2  }
0x8e: {  	p0 =	sne.s32 s21, $0x5;
	[tilespmem:s20+$0x1C380] =	vst v1  }
.Ltmp2:
0x8f: {  	s24 =	sadd.s32 s9, s7;
	s31 =	simm.s32 $0x1C380;
	[tilespmem:v7+s4+$0x0] =	vst.idx.add.f32.msk $0xffff, v1;
	(pc) =	sbr.rel @p0 .LBB2_4-.Ltmp2, $4  }
0x90: {  	[hbm4b:s24+s14] =	stream.linear.scatter [tilespmem:s31], [sflag:$0x5], $0x800, $0x200038;
	[tilespmem:$0x1D680] =	vst v63  }
0x91: {  	_ =	swait.ge [sflag:s29], $0x800  }
0x92: {  	[sflag:s29] =	ssyncset.done $0x0  }
0x93: {  	s26 =	sadd.s32 $0x800, s26;
	s20 =	smov.u32 s13;
	[sflag:s29] =	ssyncadd.s32 $0xFFFFF800  }
0x94: {  	s0 =	simm.s32 $0x0;
	s1 =	rddreg [dreg:$0x6]  }
0x95: {  	[hbm4b:s1+s0] =	stream.linear.scatter [tilespmem:s4], [sflag:$0x5], $0x2780, $0x200038;
	[tilespmem:$0x1D680] =	vst v63  }
0x96: {  	_ =	swait.ge [sflag:s29], $0x2780  }
0x97: {  	[sflag:s29] =	ssyncset.done $0x0  }
0x98: {  	[sflag:s29] =	ssyncadd.s32 $0xFFFFD880  }
0x99: {  	s6 =	simm.s32 $0x200;
	s0 =	simm.s32 $0x0;
	_ =	strace $0x90000048  }
.LBB2_8:
0x9a: {  	p0 =	sne.s32 s6, $0xFE00;
	[tilespmem:s0+$0x13C70] =	vst v0  }
0x9b: {  	[tilespmem:s0+$0x13C00] =	vst v0  }
0x9c: {  	[tilespmem:s0+$0x13C10] =	vst v0  }
.Ltmp3:
0x9d: {  	[tilespmem:s0+$0x13C20] =	vst v0;
	(pc) =	sbr.rel @p0 .LBB2_8-.Ltmp3, $4  }
0x9e: {  	[tilespmem:s0+$0x13C30] =	vst v0  }
0x9f: {  	[tilespmem:s0+$0x13C40] =	vst v0  }
0xa0: {  	[tilespmem:s0+$0x13C50] =	vst v0  }
0xa1: {  	[tilespmem:s0+$0x13C60] =	vst v0;
	s0 =	sshra.s32 s6, $0x2;
	s6 =	sadd.s32 $0x200, s6  }
0xa2: {  	[tilespmem:s0+$0x13C70] =	vst v0  }
0xa3: {  	[tilespmem:s0+$0x13C00] =	vst v0  }
0xa4: {  	[tilespmem:s0+$0x13C10] =	vst v0  }
0xa5: {  	[tilespmem:s0+$0x13C20] =	vst v0  }
0xa6: {  	[tilespmem:s0+$0x13C30] =	vst v0  }
0xa7: {  	[tilespmem:s0+$0x13C40] =	vst v0  }
0xa8: {  	[tilespmem:s0+$0x13C50] =	vst v0  }
0xa9: {  	[tilespmem:s0+$0x13C60] =	vst v0;
	s22 =	rddreg [dreg:$0x7]  }
0xaa: {  	[spmem:s22] =	stream.linear.scatter [tilespmem:s28], [sflag:$0x5], $0x4000, $0x38;
	[tilespmem:$0x1D680] =	vst v63  }
0xab: {  	_ =	swait.ge [sflag:s29], $0x4000  }
0xac: {  	[sflag:s29] =	ssyncset.done $0x0  }
0xad: {  	s17 =	rddreg [dreg:$0xd];
	[sflag:s29] =	ssyncadd.s32 $0xFFFFC000  }
0xae: {  	[spmem:s17] =	stream.linear.scatter [tilespmem:s28], [sflag:$0x5], $0x4000, $0x38;
	[tilespmem:$0x1D680] =	vst v63  }
0xaf: {  	_ =	swait.ge [sflag:s29], $0x4000  }
0xb0: {  	[sflag:s29] =	ssyncset.done $0x0  }
0xb1: {  	s14 =	rddreg [dreg:$0xe];
	[sflag:s29] =	ssyncadd.s32 $0xFFFFC000  }
0xb2: {  	[spmem:s14] =	stream.linear.scatter [tilespmem:s28], [sflag:$0x5], $0x4000, $0x38;
	[tilespmem:$0x1D680] =	vst v63  }
0xb3: {  	_ =	swait.ge [sflag:s29], $0x4000  }
0xb4: {  	[sflag:s29] =	ssyncset.done $0x0  }
0xb5: {  	s15 =	rddreg [dreg:$0xf];
	[sflag:s29] =	ssyncadd.s32 $0xFFFFC000  }
0xb6: {  	[spmem:s15] =	stream.linear.scatter [tilespmem:s28], [sflag:$0x5], $0x4000, $0x38;
	[tilespmem:$0x1D680] =	vst v63  }
0xb7: {  	_ =	swait.ge [sflag:s29], $0x4000  }
0xb8: {  	[sflag:s29] =	ssyncset.done $0x0  }
0xb9: {  	s23 =	rddreg [dreg:$0x11];
	[sflag:s29] =	ssyncadd.s32 $0xFFFFC000  }
0xba: {  	[spmem:s23] =	stream.linear.scatter [tilespmem:s28], [sflag:$0x5], $0x3C00, $0x38;
	[tilespmem:$0x1D680] =	vst v63  }
0xbb: {  	_ =	swait.ge [sflag:s29], $0x3C00  }
0xbc: {  	[sflag:s29] =	ssyncset.done $0x0  }
0xbd: {  	[sflag:s29] =	ssyncadd.s32 $0xFFFFC400  }
0xbe: {  	[bflag:$0x0] =	sbarrier.arrive $0xFFFF  }
0xbf: {  	_ =	strace $0x80000049  }
0xc0: {  	s25 =	simm.s32 $0x0;
	s1 =	simm.s32 $0x1BC00;
	s19 =	rddreg [dreg:$0x13]  }
0xc1: {  	[tilespmem:s1], [sflag:$0x5] =	stream.linear.gather [hbm4b:s19+s25], $0x800, $0x200038;
	[tilespmem:$0x1D680] =	vst v63  }
0xc2: {  	_ =	swait.ge [sflag:s29], $0x800  }
0xc3: {  	[sflag:s29] =	ssyncset.done $0x0  }
0xc4: {  	s2 =	simm.s32 $0x1C400;
	s21 =	rddreg [dreg:$0x12];
	[sflag:s29] =	ssyncadd.s32 $0xFFFFF800  }
0xc5: {  	[tilespmem:s2], [sflag:$0x5] =	stream.linear.gather [hbm4b:s21+s25], $0x800, $0x200038;
	[tilespmem:$0x1D680] =	vst v63  }
0xc6: {  	_ =	swait.ge [sflag:s29], $0x800  }
0xc7: {  	[sflag:s29] =	ssyncset.done $0x0  }
0xc8: {  	s26 =	simm.s32 $0x1CC00;
	s24 =	rddreg [dreg:$0x14];
	[sflag:s29] =	ssyncadd.s32 $0xFFFFF800  }
0xc9: {  	[tilespmem:s26], [sflag:$0x5] =	stream.linear.gather [hbm4b:s24+s25], $0x800, $0x200038;
	[tilespmem:$0x1D680] =	vst v63  }
0xca: {  	_ =	swait.ge [sflag:s29], $0x800  }
0xcb: {  	[sflag:s29] =	ssyncset.done $0x0  }
0xcc: {  	[sflag:s29] =	ssyncadd.s32 $0xFFFFF800  }
0xcd: {  	[tilespmem:s28], [sflag:$0x1] =	stream.indirect.gather [hbm4b:s8+s11], $0x80, s1, s11, $0x2000b8;
	[tilespmem:$0x1D680] =	vst v63  }
0xce: {  	s31 =	simm.s32 $0x1;
	s24 =	simm.s32 $0x17C00;
	s13 =	rddreg [dreg:$0x2]  }
.LBB2_10:
0xcf: {  	s26 =	sshll.u32 s25, $0x1  }
0xd0: {  	s0 =	sand.u32 $0xE, s26  }
0xd1: {  	s1 =	sshll.u32 s0, $0x7  }
0xd2: {  	v1 =	vld [tilespmem:s1+$0x1C400]  }
0xd3: {  	v2 =	vld [tilespmem:s1+$0x1CC00]  }
0xd4: {  	v3 =	vld [tilespmem:s1+$0x1C410]  }
0xd5: {  	v4 =	vld [tilespmem:s1+$0x1CC10]  }
0xd6: {  	v5 =	vld [tilespmem:s1+$0x1C420]  }
0xd7: {  	[tilespmem:$0x1D480] =	vst v1;
	v1 =	vld [tilespmem:s1+$0x1CC20]  }
0xd8: {  	[tilespmem:$0x1D580] =	vst v2;
	v2 =	vld [tilespmem:s1+$0x1C430]  }
0xd9: {  	[tilespmem:$0x1D490] =	vst v3;
	v3 =	vld [tilespmem:s1+$0x1CC30]  }
0xda: {  	[tilespmem:$0x1D590] =	vst v4;
	v4 =	vld [tilespmem:s1+$0x1C440]  }
0xdb: {  	[tilespmem:$0x1D4A0] =	vst v5;
	v5 =	vld [tilespmem:s1+$0x1CC40]  }
0xdc: {  	[tilespmem:$0x1D5A0] =	vst v1;
	v1 =	vld [tilespmem:s1+$0x1C450]  }
0xdd: {  	[tilespmem:$0x1D4B0] =	vst v2;
	v2 =	vld [tilespmem:s1+$0x1CC50]  }
0xde: {  	[tilespmem:$0x1D5B0] =	vst v3;
	v3 =	vld [tilespmem:s1+$0x1C460]  }
0xdf: {  	[tilespmem:$0x1D4C0] =	vst v4;
	v4 =	vld [tilespmem:s1+$0x1CC60]  }
0xe0: {  	[tilespmem:$0x1D5C0] =	vst v5;
	v5 =	vld [tilespmem:s1+$0x1C470]  }
0xe1: {  	[tilespmem:$0x1D4D0] =	vst v1;
	v1 =	vld [tilespmem:s1+$0x1CC70]  }
0xe2: {  	[tilespmem:$0x1D5D0] =	vst v2  }
0xe3: {  	[tilespmem:$0x1D4E0] =	vst v3  }
0xe4: {  	[tilespmem:$0x1D5E0] =	vst v4  }
0xe5: {  	p0 =	seq.s32 s25, $0x0;
	[tilespmem:$0x1D4F0] =	vst v5  }
0xe6: {  	s1 =	simm.s32 @!p0 $0x4;
	[tilespmem:$0x1D5F0] =	vst v1  }
0xe7: {  	s0 =	sor.u32 $0x1, s0;
	_ =	swait.ge @!p0 [sflag:s1], $0x4000  }
0xe8: {  	s7 =	sshll.u32 s0, $0x7;
	[sflag:s1] =	ssyncset.done @!p0 $0x0  }
0xe9: {  	s0 =	sadd.s32 $0x1BC00, s7;
	[sflag:s1] =	ssyncadd.s32 @!p0 $0xFFFFC000  }
0xea: {  	[tilespmem:s24], [sflag:$0x2] =	stream.indirect.gather [hbm4b:s8+s11], $0x80, s0, s11, $0x2000b8;
	[tilespmem:$0x1D680] =	vst v63  }
0xeb: {  	_ =	swait.ge [sflag:s31], $0x4000  }
0xec: {  	[sflag:s31] =	ssyncset.done $0x0  }
0xed: {  	s19 =	simm.s32 $0x1D582;
	[sflag:s31] =	ssyncadd.s32 $0xFFFFC000  }
0xee: {  	s21 =	simm.s32 $0x13D00;
	v1 =	vld.msk [tilespmem:s19+$0x1 ss:$0x0], $0xffff  }
0xef: {  	v3 =	vld [tilespmem:s21+$0xF0]  }
0xf0: {  	v2 =	vld.msk [tilespmem:s19+$0xFFFFFFFE ss:$0x0], $0xffff  }
0xf1: {  	v4 =	vld.msk [tilespmem:s19+$0xFFFFFFFF ss:$0x0], $0xffff  }
0xf2: {  	v5 =	vld [tilespmem:s21+$0xFFFFFF10]  }
0xf3: {  	v6 =	vld [tilespmem:s21+$0xFFFFFF20]  }
0xf4: {  	v10 =	vld [tilespmem:s21+$0xFFFFFF60]  }
0xf5: {  	v11 =	vld [tilespmem:s21+$0xFFFFFF70]  }
0xf6: {  	v7 =	vld [tilespmem:s21+$0xFFFFFF30]  }
0xf7: {  	v8 =	vld [tilespmem:s21+$0xFFFFFF40];
	v3 =	vmul.f32 v3, v1  }
0xf8: {  	v9 =	vld [tilespmem:s21+$0xFFFFFF50];
	v5 =	vmul.f32 v5, v2  }
0xf9: {  	v12 =	vld [tilespmem:s21+$0xFFFFFF80];
	v10 =	vmul.f32 v10, v2;
	[tilespmem:s21+$0xF0] =	vst v3  }
0xfa: {  	v62 =	vld [tilespmem:s21+$0xFFFFFFD0];
	v11 =	vmul.f32 v11, v2;
	[tilespmem:s21+$0xFFFFFF10] =	vst v5  }
0xfb: {  	v3 =	vmul.f32 v6, v2;
	v6 =	vld [tilespmem:s21+$0xFFFFFF90];
	[tilespmem:s21+$0xFFFFFF60] =	vst v10  }
0xfc: {  	v5 =	vmul.f32 v7, v2;
	v7 =	vld [tilespmem:s21+$0xFFFFFFA0];
	[tilespmem:s21+$0xFFFFFF70] =	vst v11  }
0xfd: {  	[tilespmem:s21+$0xFFFFFF20] =	vst v3;
	v3 =	vmul.f32 v8, v2;
	v8 =	vld [tilespmem:s21+$0xFFFFFFB0]  }
0xfe: {  	[tilespmem:s21+$0xFFFFFF30] =	vst v5;
	v5 =	vmul.f32 v9, v2;
	v9 =	vld [tilespmem:s21+$0xFFFFFFC0]  }
0xff: {  	v10 =	vld [tilespmem:s21+$0xFFFFFFF0];
	[tilespmem:s21+$0xFFFFFF40] =	vst v3;
	v3 =	vmul.f32 v4, v12  }
0x100: {  	[tilespmem:s21+$0xFFFFFF50] =	vst v5;
	v5 =	vld [tilespmem:s21+$0xFFFFFFE0];
	v6 =	vmul.f32 v6, v4  }
0x101: {  	v11 =	vld [tilespmem:s21+$0x0];
	v7 =	vmul.f32 v7, v4;
	[tilespmem:s21+$0xFFFFFF80] =	vst v3  }
0x102: {  	v3 =	vld.msk [tilespmem:s19+$0x0 ss:$0x0], $0xffff;
	[tilespmem:s21+$0xFFFFFF90] =	vst v6;
	v6 =	vmul.f32 v8, v4  }
0x103: {  	v8 =	vld [tilespmem:s21+$0x10];
	[tilespmem:s21+$0xFFFFFFA0] =	vst v7;
	v7 =	vmul.f32 v9, v4  }
0x104: {  	v9 =	vld [tilespmem:s21+$0x20];
	[tilespmem:s21+$0xFFFFFFB0] =	vst v6;
	v6 =	vmul.f32 v62, v4  }
0x105: {  	v63 =	vld [tilespmem:s21+$0x30];
	[tilespmem:s21+$0xFFFFFFC0] =	vst v7;
	v5 =	vmul.f32 v5, v4  }
0x106: {  	v7 =	vld [tilespmem:s21+$0x40];
	v4 =	vmul.f32 v10, v4;
	[tilespmem:s21+$0xFFFFFFD0] =	vst v6  }
0x107: {  	v6 =	vmul.f32 v3, v11;
	v11 =	vld [tilespmem:s21+$0x50];
	[tilespmem:s21+$0xFFFFFFE0] =	vst v5  }
0x108: {  	v5 =	vld [tilespmem:s21+$0x60];
	[tilespmem:s21+$0xFFFFFFF0] =	vst v4;
	v8 =	vmul.f32 v8, v3  }
0x109: {  	v4 =	vmul.f32 v9, v3;
	[tilespmem:s21+$0x0] =	vst v6;
	v6 =	vld [tilespmem:s21+$0x70]  }
0x10a: {  	v9 =	vld [tilespmem:s21+$0x80];
	[tilespmem:s21+$0x10] =	vst v8;
	v8 =	vmul.f32 v63, v3  }
0x10b: {  	[tilespmem:s21+$0x20] =	vst v4;
	v4 =	vmul.f32 v7, v3;
	v7 =	vld [tilespmem:s21+$0x90]  }
0x10c: {  	v10 =	vld [tilespmem:s21+$0xA0];
	[tilespmem:s21+$0x30] =	vst v8;
	v8 =	vmul.f32 v11, v3  }
0x10d: {  	[tilespmem:s21+$0x40] =	vst v4;
	v5 =	vmul.f32 v5, v3;
	v4 =	vld [tilespmem:s21+$0xB0]  }
0x10e: {  	[tilespmem:s21+$0x50] =	vst v8;
	v6 =	vmul.f32 v6, v3;
	v3 =	vld [tilespmem:s21+$0xC0]  }
0x10f: {  	v9 =	vmul.f32 v1, v9;
	[tilespmem:s21+$0x60] =	vst v5;
	v5 =	vld [tilespmem:s21+$0xD0]  }
0x110: {  	v8 =	vmul.f32 v7, v1;
	[tilespmem:s21+$0x70] =	vst v6;
	v6 =	vld [tilespmem:s21+$0xE0]  }
0x111: {  	s12 =	simm.s32 $0x0;
	s18 =	simm.s32 $0x1D586;
	s19 =	simm.s32 $0x13D00;
	v7 =	vld [tilespmem:s21+$0xFFFFFF00];
	[tilespmem:s21+$0x80] =	vst v9;
	v9 =	vmul.f32 v10, v1  }
.LBB2_11:
0x112: {  	v10 =	vld.msk [tilespmem:s18+$0x1 ss:$0x0], $0xffff;
	s12 =	sadd.s32 $0x4, s12;
	[tilespmem:s21+$0x90] =	vst v8;
	v4 =	vmul.f32 v4, v1;
	s19 =	sadd.s32 $0x200, s19  }
0x113: {  	v8 =	vld [tilespmem:s19+$0xF0];
	p0 =	slt.u32 s12, $0x7C;
	[tilespmem:s21+$0xA0] =	vst v9;
	v3 =	vmul.f32 v3, v1  }
0x114: {  	v9 =	vld.msk [tilespmem:s18+$0xFFFFFFFE ss:$0x0], $0xffff;
	[tilespmem:s21+$0xB0] =	vst v4;
	v4 =	vmul.f32 v5, v1  }
0x115: {  	v5 =	vld.msk [tilespmem:s18+$0xFFFFFFFF ss:$0x0], $0xffff;
	[tilespmem:s21+$0xC0] =	vst v3;
	v11 =	vmul.f32 v6, v1  }
0x116: {  	v3 =	vld.msk [tilespmem:s18+$0x0 ss:$0x0], $0xffff;
	v2 =	vmul.f32 v2, v7;
	[tilespmem:s21+$0xD0] =	vst v4  }
0x117: {  	v4 =	vld [tilespmem:s19+$0xFFFFFF10];
	[tilespmem:s21+$0xE0] =	vst v11  }
0x118: {  	v1 =	vmov v10;
	v6 =	vld [tilespmem:s19+$0xFFFFFF20];
	v7 =	vmul.f32 v8, v10;
	[tilespmem:s21+$0xFFFFFF00] =	vst v2;
	s21 =	smov.u32 s19  }
0x119: {  	v8 =	vld [tilespmem:s19+$0xFFFFFF30]  }
0x11a: {  	v10 =	vld [tilespmem:s19+$0xFFFFFF40];
	[tilespmem:s19+$0xF0] =	vst v7;
	v2 =	vmov v9  }
0x11b: {  	v7 =	vld [tilespmem:s19+$0xFFFFFF50]  }
0x11c: {  	v4 =	vmul.f32 v4, v2;
	v9 =	vld [tilespmem:s19+$0xFFFFFF60]  }
0x11d: {  	v6 =	vmul.f32 v6, v2;
	v11 =	vld [tilespmem:s19+$0xFFFFFF70]  }
0x11e: {  	[tilespmem:s19+$0xFFFFFF10] =	vst v4;
	v4 =	vmul.f32 v8, v2;
	v8 =	vld [tilespmem:s19+$0xFFFFFF80]  }
0x11f: {  	[tilespmem:s19+$0xFFFFFF20] =	vst v6;
	v6 =	vmul.f32 v10, v2;
	v10 =	vld [tilespmem:s19+$0xFFFFFF90]  }
0x120: {  	[tilespmem:s19+$0xFFFFFF30] =	vst v4;
	v4 =	vmul.f32 v7, v2;
	v7 =	vld [tilespmem:s19+$0xFFFFFFA0]  }
0x121: {  	[tilespmem:s19+$0xFFFFFF40] =	vst v6;
	v6 =	vmul.f32 v9, v2;
	v9 =	vld [tilespmem:s19+$0xFFFFFFB0]  }
0x122: {  	[tilespmem:s19+$0xFFFFFF50] =	vst v4;
	v4 =	vmul.f32 v11, v2;
	v11 =	vld [tilespmem:s19+$0xFFFFFFC0]  }
0x123: {  	[tilespmem:s19+$0xFFFFFF60] =	vst v6;
	v6 =	vmul.f32 v5, v8;
	v8 =	vld [tilespmem:s19+$0xFFFFFFD0]  }
0x124: {  	[tilespmem:s19+$0xFFFFFF70] =	vst v4;
	v4 =	vmul.f32 v10, v5;
	v10 =	vld [tilespmem:s19+$0xFFFFFFE0]  }
0x125: {  	[tilespmem:s19+$0xFFFFFF80] =	vst v6;
	v6 =	vmul.f32 v7, v5;
	v7 =	vld [tilespmem:s19+$0xFFFFFFF0]  }
0x126: {  	[tilespmem:s19+$0xFFFFFF90] =	vst v4;
	v4 =	vmul.f32 v9, v5;
	v9 =	vld [tilespmem:s19+$0x0]  }
0x127: {  	[tilespmem:s19+$0xFFFFFFA0] =	vst v6;
	v6 =	vmul.f32 v11, v5;
	v11 =	vld [tilespmem:s19+$0x10]  }
0x128: {  	[tilespmem:s19+$0xFFFFFFB0] =	vst v4;
	v4 =	vmul.f32 v8, v5;
	v8 =	vld [tilespmem:s19+$0x20]  }
0x129: {  	[tilespmem:s19+$0xFFFFFFC0] =	vst v6;
	v6 =	vmul.f32 v10, v5;
	v10 =	vld [tilespmem:s19+$0x30]  }
0x12a: {  	[tilespmem:s19+$0xFFFFFFD0] =	vst v4;
	v4 =	vmul.f32 v7, v5;
	v5 =	vld [tilespmem:s19+$0x40]  }
0x12b: {  	[tilespmem:s19+$0xFFFFFFE0] =	vst v6;
	v6 =	vmul.f32 v3, v9;
	v7 =	vld [tilespmem:s19+$0x50]  }
0x12c: {  	[tilespmem:s19+$0xFFFFFFF0] =	vst v4;
	v4 =	vmul.f32 v11, v3;
	v9 =	vld [tilespmem:s19+$0x60]  }
0x12d: {  	[tilespmem:s19+$0x0] =	vst v6;
	v6 =	vmul.f32 v8, v3;
	v8 =	vld [tilespmem:s19+$0x70]  }
0x12e: {  	[tilespmem:s19+$0x10] =	vst v4;
	v4 =	vmul.f32 v10, v3;
	v10 =	vld [tilespmem:s19+$0x80]  }
0x12f: {  	[tilespmem:s19+$0x20] =	vst v6;
	v5 =	vmul.f32 v5, v3;
	v6 =	vld [tilespmem:s19+$0x90]  }
0x130: {  	[tilespmem:s19+$0x30] =	vst v4;
	v7 =	vmul.f32 v7, v3;
	v11 =	vld [tilespmem:s19+$0xA0]  }
.Ltmp4:
0x131: {  	[tilespmem:s19+$0x40] =	vst v5;
	v5 =	vmul.f32 v9, v3;
	v4 =	vld [tilespmem:s19+$0xB0];
	(pc) =	sbr.rel @p0 .LBB2_11-.Ltmp4, $4  }
0x132: {  	[tilespmem:s19+$0x50] =	vst v7;
	v7 =	vmul.f32 v8, v3;
	v3 =	vld [tilespmem:s19+$0xC0]  }
0x133: {  	[tilespmem:s19+$0x60] =	vst v5;
	v9 =	vmul.f32 v1, v10;
	v5 =	vld [tilespmem:s19+$0xD0]  }
0x134: {  	[tilespmem:s19+$0x70] =	vst v7;
	v8 =	vmul.f32 v6, v1;
	v6 =	vld [tilespmem:s19+$0xE0]  }
0x135: {  	s18 =	sadd.s32 $0x4, s18;
	v7 =	vld [tilespmem:s19+$0xFFFFFF00];
	[tilespmem:s19+$0x80] =	vst v9;
	v9 =	vmul.f32 v11, v1  }
0x136: {  	[tilespmem:s21+$0x90] =	vst v8;
	v4 =	vmul.f32 v4, v1  }
0x137: {  	[tilespmem:s21+$0xA0] =	vst v9;
	v3 =	vmul.f32 v3, v1  }
0x138: {  	[tilespmem:s21+$0xB0] =	vst v4;
	v4 =	vmul.f32 v5, v1  }
0x139: {  	[tilespmem:s21+$0xC0] =	vst v3;
	v1 =	vmul.f32 v6, v1  }
0x13a: {  	v2 =	vmul.f32 v2, v7;
	[tilespmem:s21+$0xD0] =	vst v4  }
0x13b: {  	[tilespmem:s21+$0xE0] =	vst v1  }
0x13c: {  	s0 =	simm.s32 $0x1D480;
	[tilespmem:s21+$0xFFFFFF00] =	vst v2  }
0x13d: {  	[spmem:s13] =	stream.indirect.scatter.add.f32 [tilespmem:s28], [sflag:$0x3], $0x80, s0, s11, $0x2000b8;
	[tilespmem:$0x1D680] =	vst v63  }
0x13e: {  	v1 =	vld [tilespmem:s7+$0x1C400]  }
0x13f: {  	v2 =	vld [tilespmem:s7+$0x1CC00]  }
0x140: {  	v3 =	vld [tilespmem:s7+$0x1C410]  }
0x141: {  	v4 =	vld [tilespmem:s7+$0x1CC10]  }
0x142: {  	v5 =	vld [tilespmem:s7+$0x1C420]  }
0x143: {  	[tilespmem:$0x1D500] =	vst v1;
	v1 =	vld [tilespmem:s7+$0x1CC20]  }
0x144: {  	[tilespmem:$0x1D580] =	vst v2;
	v2 =	vld [tilespmem:s7+$0x1C430]  }
0x145: {  	[tilespmem:$0x1D510] =	vst v3;
	v3 =	vld [tilespmem:s7+$0x1CC30]  }
0x146: {  	[tilespmem:$0x1D590] =	vst v4;
	v4 =	vld [tilespmem:s7+$0x1C440]  }
0x147: {  	[tilespmem:$0x1D520] =	vst v5;
	v5 =	vld [tilespmem:s7+$0x1CC40]  }
0x148: {  	[tilespmem:$0x1D5A0] =	vst v1;
	v1 =	vld [tilespmem:s7+$0x1C450]  }
0x149: {  	[tilespmem:$0x1D530] =	vst v2;
	v2 =	vld [tilespmem:s7+$0x1CC50]  }
0x14a: {  	p0 =	seq.s32 s25, $0x27;
	[tilespmem:$0x1D5B0] =	vst v3;
	v3 =	vld [tilespmem:s7+$0x1C460]  }
0x14b: {  	s0 =	sadd.s32 @!p0 $0x2, s26;
	[tilespmem:$0x1D540] =	vst v4;
	v4 =	vld [tilespmem:s7+$0x1CC60]  }
0x14c: {  	s1 =	sand.u32 @!p0 $0xE, s0;
	[tilespmem:$0x1D5C0] =	vst v5;
	v5 =	vld [tilespmem:s7+$0x1C470]  }
0x14d: {  	p1 =	sne.s32 @!p0 s1, $0x0;
	[tilespmem:$0x1D550] =	vst v1;
	v1 =	vld [tilespmem:s7+$0x1CC70]  }
0x14e: {  	p1 =	por p1, p0;
	[tilespmem:$0x1D5D0] =	vst v2  }
0x14f: {  	s0 =	sshll.u32 @!p1 s0, $0x7;
	[tilespmem:$0x1D560] =	vst v3  }
0x150: {  	s0 =	sadd.s32 @!p1 s10, s0;
	[tilespmem:$0x1D5E0] =	vst v4  }
0x151: {  	s0 =	sshrl.u32 @!p1 s0, $0x3;
	[tilespmem:$0x1D570] =	vst v5  }
0x152: {  	s3 =	simm.s32 @!p1 $0x0;
	s6 =	simm.s32 @!p1 $0x1BC00;
	s2 =	sadd.s32 @!p1 s5, s0;
	[tilespmem:$0x1D5F0] =	vst v1  }
0x153: {  	[tilespmem:s6], [sflag:$0x5] =	stream.linear.gather @!p1 [hbm4b:s2+s3], $0x800, $0x200038;
	[tilespmem:$0x1D680] =	vst v63  }
0x154: {  	s2 =	simm.s32 @!p1 $0x5  }
0x155: {  	_ =	swait.ge @!p1 [sflag:s2], $0x800  }
0x156: {  	[sflag:s2] =	ssyncset.done @!p1 $0x0  }
0x157: {  	s7 =	simm.s32 @!p1 $0x1C400;
	s6 =	sadd.s32 @!p1 s20, s0;
	[sflag:s2] =	ssyncadd.s32 @!p1 $0xFFFFF800  }
0x158: {  	[tilespmem:s7], [sflag:$0x5] =	stream.linear.gather @!p1 [hbm4b:s6+s3], $0x800, $0x200038;
	[tilespmem:$0x1D680] =	vst v63  }
0x159: {  	_ =	swait.ge @!p1 [sflag:s2], $0x800  }
0x15a: {  	[sflag:s2] =	ssyncset.done @!p1 $0x0  }
0x15b: {  	s0 =	sadd.s32 @!p1 s9, s0;
	s6 =	simm.s32 @!p1 $0x1CC00;
	[sflag:s2] =	ssyncadd.s32 @!p1 $0xFFFFF800  }
0x15c: {  	[tilespmem:s6], [sflag:$0x5] =	stream.linear.gather @!p1 [hbm4b:s0+s3], $0x800, $0x200038;
	[tilespmem:$0x1D680] =	vst v63  }
0x15d: {  	_ =	swait.ge @!p1 [sflag:s2], $0x800  }
0x15e: {  	[sflag:s2] =	ssyncset.done @!p1 $0x0  }
0x15f: {  	s0 =	simm.s32 @!p0 $0x3;
	[sflag:s2] =	ssyncadd.s32 @!p1 $0xFFFFF800  }
0x160: {  	_ =	swait.ge @!p0 [sflag:s0], $0x4000  }
0x161: {  	[sflag:s0] =	ssyncset.done @!p0 $0x0  }
0x162: {  	[sflag:s0] =	ssyncadd.s32 @!p0 $0xFFFFC000;
	s0 =	sshll.u32 @!p0 s1, $0x7  }
0x163: {  	s2 =	simm.s32 @!p0 $0x13C00;
	s1 =	simm.s32 @!p0 $0x80;
	s0 =	sadd.s32 @!p0 $0x1BC00, s0  }
0x164: {  	[tilespmem:s2], [sflag:$0x1] =	stream.indirect.gather @!p0 [hbm4b:s8+s1], $0x80, s0, s1, $0x2000b8;
	[tilespmem:$0x1D680] =	vst v63  }
0x165: {  	_ =	swait.ge [sflag:s16], $0x4000  }
0x166: {  	[sflag:s16] =	ssyncset.done $0x0  }
0x167: {  	s26 =	simm.s32 $0x1D582;
	[sflag:s16] =	ssyncadd.s32 $0xFFFFC000  }
0x168: {  	s7 =	simm.s32 $0x17D00;
	v1 =	vld.msk [tilespmem:s26+$0x1 ss:$0x0], $0xffff  }
0x169: {  	v3 =	vld [tilespmem:s7+$0xF0]  }
0x16a: {  	v2 =	vld.msk [tilespmem:s26+$0xFFFFFFFE ss:$0x0], $0xffff  }
0x16b: {  	v4 =	vld.msk [tilespmem:s26+$0xFFFFFFFF ss:$0x0], $0xffff  }
0x16c: {  	v5 =	vld [tilespmem:s7+$0xFFFFFF10]  }
0x16d: {  	v6 =	vld [tilespmem:s7+$0xFFFFFF20]  }
0x16e: {  	v10 =	vld [tilespmem:s7+$0xFFFFFF60]  }
0x16f: {  	v11 =	vld [tilespmem:s7+$0xFFFFFF70]  }
0x170: {  	v7 =	vld [tilespmem:s7+$0xFFFFFF30]  }
0x171: {  	v8 =	vld [tilespmem:s7+$0xFFFFFF40];
	v3 =	vmul.f32 v3, v1  }
0x172: {  	v9 =	vld [tilespmem:s7+$0xFFFFFF50];
	v5 =	vmul.f32 v5, v2  }
0x173: {  	v12 =	vld [tilespmem:s7+$0xFFFFFF80];
	v10 =	vmul.f32 v10, v2;
	[tilespmem:s7+$0xF0] =	vst v3  }
0x174: {  	v62 =	vld [tilespmem:s7+$0xFFFFFFD0];
	v11 =	vmul.f32 v11, v2;
	[tilespmem:s7+$0xFFFFFF10] =	vst v5  }
0x175: {  	v3 =	vmul.f32 v6, v2;
	v6 =	vld [tilespmem:s7+$0xFFFFFF90];
	[tilespmem:s7+$0xFFFFFF60] =	vst v10  }
0x176: {  	v5 =	vmul.f32 v7, v2;
	v7 =	vld [tilespmem:s7+$0xFFFFFFA0];
	[tilespmem:s7+$0xFFFFFF70] =	vst v11  }
0x177: {  	[tilespmem:s7+$0xFFFFFF20] =	vst v3;
	v3 =	vmul.f32 v8, v2;
	v8 =	vld [tilespmem:s7+$0xFFFFFFB0]  }
0x178: {  	[tilespmem:s7+$0xFFFFFF30] =	vst v5;
	v5 =	vmul.f32 v9, v2;
	v9 =	vld [tilespmem:s7+$0xFFFFFFC0]  }
0x179: {  	v10 =	vld [tilespmem:s7+$0xFFFFFFF0];
	[tilespmem:s7+$0xFFFFFF40] =	vst v3;
	v3 =	vmul.f32 v4, v12  }
0x17a: {  	[tilespmem:s7+$0xFFFFFF50] =	vst v5;
	v5 =	vld [tilespmem:s7+$0xFFFFFFE0];
	v6 =	vmul.f32 v6, v4  }
0x17b: {  	v11 =	vld [tilespmem:s7+$0x0];
	v7 =	vmul.f32 v7, v4;
	[tilespmem:s7+$0xFFFFFF80] =	vst v3  }
0x17c: {  	v3 =	vld.msk [tilespmem:s26+$0x0 ss:$0x0], $0xffff;
	[tilespmem:s7+$0xFFFFFF90] =	vst v6;
	v6 =	vmul.f32 v8, v4  }
0x17d: {  	v8 =	vld [tilespmem:s7+$0x10];
	[tilespmem:s7+$0xFFFFFFA0] =	vst v7;
	v7 =	vmul.f32 v9, v4  }
0x17e: {  	v9 =	vld [tilespmem:s7+$0x20];
	[tilespmem:s7+$0xFFFFFFB0] =	vst v6;
	v6 =	vmul.f32 v62, v4  }
0x17f: {  	v63 =	vld [tilespmem:s7+$0x30];
	[tilespmem:s7+$0xFFFFFFC0] =	vst v7;
	v5 =	vmul.f32 v5, v4  }
0x180: {  	v7 =	vld [tilespmem:s7+$0x40];
	v4 =	vmul.f32 v10, v4;
	[tilespmem:s7+$0xFFFFFFD0] =	vst v6  }
0x181: {  	v6 =	vmul.f32 v3, v11;
	v11 =	vld [tilespmem:s7+$0x50];
	[tilespmem:s7+$0xFFFFFFE0] =	vst v5  }
0x182: {  	v5 =	vld [tilespmem:s7+$0x60];
	[tilespmem:s7+$0xFFFFFFF0] =	vst v4;
	v8 =	vmul.f32 v8, v3  }
0x183: {  	v4 =	vmul.f32 v9, v3;
	[tilespmem:s7+$0x0] =	vst v6;
	v6 =	vld [tilespmem:s7+$0x70]  }
0x184: {  	v9 =	vld [tilespmem:s7+$0x80];
	[tilespmem:s7+$0x10] =	vst v8;
	v8 =	vmul.f32 v63, v3  }
0x185: {  	[tilespmem:s7+$0x20] =	vst v4;
	v4 =	vmul.f32 v7, v3;
	v7 =	vld [tilespmem:s7+$0x90]  }
0x186: {  	v10 =	vld [tilespmem:s7+$0xA0];
	[tilespmem:s7+$0x30] =	vst v8;
	v8 =	vmul.f32 v11, v3  }
0x187: {  	[tilespmem:s7+$0x40] =	vst v4;
	v5 =	vmul.f32 v5, v3;
	v4 =	vld [tilespmem:s7+$0xB0]  }
0x188: {  	[tilespmem:s7+$0x50] =	vst v8;
	v6 =	vmul.f32 v6, v3;
	v3 =	vld [tilespmem:s7+$0xC0]  }
0x189: {  	v9 =	vmul.f32 v1, v9;
	[tilespmem:s7+$0x60] =	vst v5;
	v5 =	vld [tilespmem:s7+$0xD0]  }
0x18a: {  	v8 =	vmul.f32 v7, v1;
	[tilespmem:s7+$0x70] =	vst v6;
	v6 =	vld [tilespmem:s7+$0xE0]  }
0x18b: {  	s12 =	simm.s32 $0x0;
	s18 =	simm.s32 $0x1D586;
	s19 =	simm.s32 $0x17D00;
	v7 =	vld [tilespmem:s7+$0xFFFFFF00];
	[tilespmem:s7+$0x80] =	vst v9;
	v9 =	vmul.f32 v10, v1  }
.LBB2_13:
0x18c: {  	v10 =	vld.msk [tilespmem:s18+$0x1 ss:$0x0], $0xffff;
	s12 =	sadd.s32 $0x4, s12;
	[tilespmem:s7+$0x90] =	vst v8;
	v4 =	vmul.f32 v4, v1;
	s19 =	sadd.s32 $0x200, s19  }
0x18d: {  	v8 =	vld [tilespmem:s19+$0xF0];
	p0 =	slt.u32 s12, $0x7C;
	[tilespmem:s7+$0xA0] =	vst v9;
	v3 =	vmul.f32 v3, v1  }
0x18e: {  	v9 =	vld.msk [tilespmem:s18+$0xFFFFFFFE ss:$0x0], $0xffff;
	[tilespmem:s7+$0xB0] =	vst v4;
	v4 =	vmul.f32 v5, v1  }
0x18f: {  	v5 =	vld.msk [tilespmem:s18+$0xFFFFFFFF ss:$0x0], $0xffff;
	[tilespmem:s7+$0xC0] =	vst v3;
	v11 =	vmul.f32 v6, v1  }
0x190: {  	v3 =	vld.msk [tilespmem:s18+$0x0 ss:$0x0], $0xffff;
	v2 =	vmul.f32 v2, v7;
	[tilespmem:s7+$0xD0] =	vst v4  }
0x191: {  	v4 =	vld [tilespmem:s19+$0xFFFFFF10];
	[tilespmem:s7+$0xE0] =	vst v11  }
0x192: {  	v1 =	vmov v10;
	v6 =	vld [tilespmem:s19+$0xFFFFFF20];
	v7 =	vmul.f32 v8, v10;
	[tilespmem:s7+$0xFFFFFF00] =	vst v2;
	s7 =	smov.u32 s19  }
0x193: {  	v8 =	vld [tilespmem:s19+$0xFFFFFF30]  }
0x194: {  	v10 =	vld [tilespmem:s19+$0xFFFFFF40];
	[tilespmem:s19+$0xF0] =	vst v7;
	v2 =	vmov v9  }
0x195: {  	v7 =	vld [tilespmem:s19+$0xFFFFFF50]  }
0x196: {  	v4 =	vmul.f32 v4, v2;
	v9 =	vld [tilespmem:s19+$0xFFFFFF60]  }
0x197: {  	v6 =	vmul.f32 v6, v2;
	v11 =	vld [tilespmem:s19+$0xFFFFFF70]  }
0x198: {  	[tilespmem:s19+$0xFFFFFF10] =	vst v4;
	v4 =	vmul.f32 v8, v2;
	v8 =	vld [tilespmem:s19+$0xFFFFFF80]  }
0x199: {  	[tilespmem:s19+$0xFFFFFF20] =	vst v6;
	v6 =	vmul.f32 v10, v2;
	v10 =	vld [tilespmem:s19+$0xFFFFFF90]  }
0x19a: {  	[tilespmem:s19+$0xFFFFFF30] =	vst v4;
	v4 =	vmul.f32 v7, v2;
	v7 =	vld [tilespmem:s19+$0xFFFFFFA0]  }
0x19b: {  	[tilespmem:s19+$0xFFFFFF40] =	vst v6;
	v6 =	vmul.f32 v9, v2;
	v9 =	vld [tilespmem:s19+$0xFFFFFFB0]  }
0x19c: {  	[tilespmem:s19+$0xFFFFFF50] =	vst v4;
	v4 =	vmul.f32 v11, v2;
	v11 =	vld [tilespmem:s19+$0xFFFFFFC0]  }
0x19d: {  	[tilespmem:s19+$0xFFFFFF60] =	vst v6;
	v6 =	vmul.f32 v5, v8;
	v8 =	vld [tilespmem:s19+$0xFFFFFFD0]  }
0x19e: {  	[tilespmem:s19+$0xFFFFFF70] =	vst v4;
	v4 =	vmul.f32 v10, v5;
	v10 =	vld [tilespmem:s19+$0xFFFFFFE0]  }
0x19f: {  	[tilespmem:s19+$0xFFFFFF80] =	vst v6;
	v6 =	vmul.f32 v7, v5;
	v7 =	vld [tilespmem:s19+$0xFFFFFFF0]  }
0x1a0: {  	[tilespmem:s19+$0xFFFFFF90] =	vst v4;
	v4 =	vmul.f32 v9, v5;
	v9 =	vld [tilespmem:s19+$0x0]  }
0x1a1: {  	[tilespmem:s19+$0xFFFFFFA0] =	vst v6;
	v6 =	vmul.f32 v11, v5;
	v11 =	vld [tilespmem:s19+$0x10]  }
0x1a2: {  	[tilespmem:s19+$0xFFFFFFB0] =	vst v4;
	v4 =	vmul.f32 v8, v5;
	v8 =	vld [tilespmem:s19+$0x20]  }
0x1a3: {  	[tilespmem:s19+$0xFFFFFFC0] =	vst v6;
	v6 =	vmul.f32 v10, v5;
	v10 =	vld [tilespmem:s19+$0x30]  }
0x1a4: {  	[tilespmem:s19+$0xFFFFFFD0] =	vst v4;
	v4 =	vmul.f32 v7, v5;
	v5 =	vld [tilespmem:s19+$0x40]  }
0x1a5: {  	[tilespmem:s19+$0xFFFFFFE0] =	vst v6;
	v6 =	vmul.f32 v3, v9;
	v7 =	vld [tilespmem:s19+$0x50]  }
0x1a6: {  	[tilespmem:s19+$0xFFFFFFF0] =	vst v4;
	v4 =	vmul.f32 v11, v3;
	v9 =	vld [tilespmem:s19+$0x60]  }
0x1a7: {  	[tilespmem:s19+$0x0] =	vst v6;
	v6 =	vmul.f32 v8, v3;
	v8 =	vld [tilespmem:s19+$0x70]  }
0x1a8: {  	[tilespmem:s19+$0x10] =	vst v4;
	v4 =	vmul.f32 v10, v3;
	v10 =	vld [tilespmem:s19+$0x80]  }
0x1a9: {  	[tilespmem:s19+$0x20] =	vst v6;
	v5 =	vmul.f32 v5, v3;
	v6 =	vld [tilespmem:s19+$0x90]  }
0x1aa: {  	[tilespmem:s19+$0x30] =	vst v4;
	v7 =	vmul.f32 v7, v3;
	v11 =	vld [tilespmem:s19+$0xA0]  }
.Ltmp5:
0x1ab: {  	[tilespmem:s19+$0x40] =	vst v5;
	v5 =	vmul.f32 v9, v3;
	v4 =	vld [tilespmem:s19+$0xB0];
	(pc) =	sbr.rel @p0 .LBB2_13-.Ltmp5, $4  }
0x1ac: {  	[tilespmem:s19+$0x50] =	vst v7;
	v7 =	vmul.f32 v8, v3;
	v3 =	vld [tilespmem:s19+$0xC0]  }
0x1ad: {  	[tilespmem:s19+$0x60] =	vst v5;
	v9 =	vmul.f32 v1, v10;
	v5 =	vld [tilespmem:s19+$0xD0]  }
0x1ae: {  	[tilespmem:s19+$0x70] =	vst v7;
	v8 =	vmul.f32 v6, v1;
	v6 =	vld [tilespmem:s19+$0xE0]  }
0x1af: {  	s18 =	sadd.s32 $0x4, s18;
	v7 =	vld [tilespmem:s19+$0xFFFFFF00];
	[tilespmem:s19+$0x80] =	vst v9;
	v9 =	vmul.f32 v11, v1  }
0x1b0: {  	[tilespmem:s7+$0x90] =	vst v8;
	v4 =	vmul.f32 v4, v1  }
0x1b1: {  	s25 =	sadd.s32 $0x1, s25;
	[tilespmem:s7+$0xA0] =	vst v9;
	v3 =	vmul.f32 v3, v1  }
0x1b2: {  	p0 =	sne.s32 s25, $0x28;
	[tilespmem:s7+$0xB0] =	vst v4;
	v63 =	vmul.f32 v5, v1  }
.Ltmp6:
0x1b3: {  	[tilespmem:s7+$0xC0] =	vst v3;
	v1 =	vmul.f32 v6, v1;
	(pc) =	sbr.rel @p0 .LBB2_10-.Ltmp6, $4  }
0x1b4: {  	v2 =	vmul.f32 v2, v7;
	[tilespmem:s7+$0xD0] =	vst v63  }
0x1b5: {  	[tilespmem:s7+$0xE0] =	vst v1  }
0x1b6: {  	s0 =	simm.s32 $0x1D500;
	[tilespmem:s7+$0xFFFFFF00] =	vst v2  }
0x1b7: {  	[spmem:s13] =	stream.indirect.scatter.add.f32 [tilespmem:s24], [sflag:$0x4], $0x80, s0, s11, $0x2000b8;
	[tilespmem:$0x1D680] =	vst v63  }
0x1b8: {  	s0 =	simm.s32 $0x3  }
0x1b9: {  	_ =	swait.ge [sflag:s0], $0x4000  }
0x1ba: {  	[sflag:s0] =	ssyncset.done $0x0  }
0x1bb: {  	s7 =	simm.s32 $0x4;
	[sflag:s0] =	ssyncadd.s32 $0xFFFFC000  }
0x1bc: {  	_ =	swait.ge [sflag:s7], $0x4000  }
0x1bd: {  	[sflag:s7] =	ssyncset.done $0x0  }
0x1be: {  	[sflag:s7] =	ssyncadd.s32 $0xFFFFC000  }
0x1bf: {  	s12 =	stileid.u32;
	_ =	strace $0x90000049  }
0x1c0: {  	s0 =	sshll.u32 s12, $0x6;
	[bflag:$0x0] =	sbarrier.arrive $0xFFFF  }
0x1c1: {  	s1 =	sshrl.u32 s22, $0x3;
	s0 =	sor.u32 $0x1C05, s0;
	s2 =	rddreg [dreg:$0x8]  }
0x1c2: {  	[hbm:s2], [sflag:s0] =	dma.local [spmem:s1], $0x800  }
0x1c3: {  	_ =	swait.ge [sflag:s29], $0x800  }
0x1c4: {  	[sflag:s29] =	ssyncset.done $0x0  }
0x1c5: {  	s13 =	sshrl.u32 s17, $0x3;
	s17 =	rddreg [dreg:$0x9];
	[sflag:s29] =	ssyncadd.s32 $0xFFFFF800  }
0x1c6: {  	[hbm:s17], [sflag:s0] =	dma.local [spmem:s13], $0x800  }
0x1c7: {  	_ =	swait.ge [sflag:s29], $0x800  }
0x1c8: {  	[sflag:s29] =	ssyncset.done $0x0  }
0x1c9: {  	s18 =	sshrl.u32 s14, $0x3;
	s19 =	rddreg [dreg:$0xa];
	[sflag:s29] =	ssyncadd.s32 $0xFFFFF800  }
0x1ca: {  	[hbm:s19], [sflag:s0] =	dma.local [spmem:s18], $0x800  }
0x1cb: {  	_ =	swait.ge [sflag:s29], $0x800  }
0x1cc: {  	[sflag:s29] =	ssyncset.done $0x0  }
0x1cd: {  	s21 =	sshrl.u32 s15, $0x3;
	s22 =	rddreg [dreg:$0xb];
	[sflag:s29] =	ssyncadd.s32 $0xFFFFF800  }
0x1ce: {  	[hbm:s22], [sflag:s0] =	dma.local [spmem:s21], $0x800  }
0x1cf: {  	_ =	swait.ge [sflag:s29], $0x800  }
0x1d0: {  	[sflag:s29] =	ssyncset.done $0x0  }
0x1d1: {  	s24 =	sshrl.u32 s23, $0x3;
	s25 =	rddreg [dreg:$0xc];
	[sflag:s29] =	ssyncadd.s32 $0xFFFFF800  }
0x1d2: {  	[hbm:s25], [sflag:s0] =	dma.local [spmem:s24], $0x780  }
0x1d3: {  	_ =	swait.ge [sflag:s29], $0x780  }
0x1d4: {  	s26 =	rddreg [dreg:$0x16]  }
0x1d5: {  	s31 =	rddreg [dreg:$0x15];
	s1 =	sadd.s32 $0x1, s26  }
0x1d6: {  	p0 =	sne.s32 s1, s31  }
.Ltmp7:
0x1d7: {  	_ = 	snop;
	(pc) =	sbr.rel @p0 .LBB2_1-.Ltmp7, $3  }
0x1d8: {  	_ =	sdelay $0x1  }
0x1d9: {  	[sflag:s29] =	ssyncset.done $0x0  }
0x1da: {  	[sflag:s29] =	ssyncadd.s32 $0xFFFFF880  }
0x1db: {  	_ =	sfence.sel $0x180000  }
0x1dc: {  	[bflag:$0x0] =	sbarrier.arrive $0xFFFF  }
0x1dd: {  	_ =	strace $0x90000047  }
0x1de: {  	s0 =	stileid.u32;
	[bflag:$0x2] =	sbarrier.arrive $0xFFFF  }
0x1df: {  	p0 =	sne.s32 s0, $0x0;
	s0 =	rddreg [dreg:$0x3]  }
0x1e0: {  	s0 =	sadd.s32 @!p0 $0x100000, s0  }
0x1e1: {  	[sflag:s0] =	ssyncadd.tile.s32 @!p0 $0x1;
	_ =	shalt  }
.Lfunc_end2:
_tile_overlayer_lowered:
.L_overlay_start_2:
0x1e2: {  	(tag) =	ssettag $0x2  }
0x1e3: {  	s0 =	rddreg [dreg:$0x0];
	s2 =	stileid.u32  }
0x1e4: {  	s1 =	rddreg [dreg:$0x1];
	p0 =	sne.s32 s2, $0x0  }
0x1e5: {  	s3 =	rddreg [dreg:$0x2];
	[bflag:$0x3] =	sbarrier.arrive $0xFFFF;
	s2 =	simm.s32 @!p0 $0x1C05  }
0x1e6: {  	[timem:s3], [sflag:s2] =	dma.local @!p0 [hbm:s0], s1  }
0x1e7: {  	s0 =	simm.s32 @!p0 $0x5  }
0x1e8: {  	_ =	swait.ge @!p0 [sflag:s0], s1  }
0x1e9: {  	s1 =	ssub.s32 @!p0 $0x0, s1;
	[sflag:s0] =	ssyncset.done @!p0 $0x0  }
0x1ea: {  	[sflag:s0] =	ssyncadd.s32 @!p0 s1  }
0x1eb: {  	[bflag:$0x3] =	sbarrier.arrive $0xFFFF  }
0x1ec: {  	_ =	shalt  }

</sc_bundles>
